<compile_context>
chip_gen: v7x
topology: tpu7x:2x2x1
jax: 0.10.2.dev20260603
libtpu: 0.0.44.dev20260713+nightly
codegen_flags: <defaults>
</compile_context>

<pallas_src>
import functools

import jax
import jax.numpy as jnp
from jax import lax
from jax.experimental import pallas as pl
from jax.experimental.pallas import tpu as pltpu
from jax.experimental.pallas import tpu_sc as plsc

VOCAB = 100
BLOCK = 50
DIM = 64
PAD = 128
SEQ_PAD = 24

_NC = 2
_NS = 16
_L = 16
_NW = _NC * _NS
_CHUNK = 128
_REP = 32


def _make_sc_gather(n_seq, seq_len):
    n_tok = n_seq * seq_len
    t_per_w = n_tok // _NW
    s_per_w = n_seq // _NW
    n_chunk = t_per_w // _CHUNK
    vec_per_chunk = _CHUNK // _L
    r_per_w = s_per_w * SEQ_PAD

    mesh = plsc.VectorSubcoreMesh(core_axis_name="c", subcore_axis_name="s")

    @functools.partial(
        pl.kernel,
        mesh=mesh,
        out_type=jax.ShapeDtypeStruct((n_seq * SEQ_PAD, PAD), jnp.float32),
        compiler_params=pltpu.CompilerParams(
            needs_layout_passes=False, use_tc_tiling_on_sc=False),
        scratch_types=[
            pltpu.VMEM((t_per_w,), jnp.int32),
            pltpu.VMEM((VOCAB,), jnp.int32),
            pltpu.VMEM((VOCAB,), jnp.int32),
            pltpu.VMEM((n_chunk, _CHUNK), jnp.int32),
            pltpu.VMEM((t_per_w, DIM), jnp.float32),
            pltpu.SemaphoreType.DMA,
            pltpu.SemaphoreType.DMA,
            pltpu.SemaphoreType.DMA,
        ],
    )
    def k(src_hbm, ba_hbm, la_hbm, table_hbm, out_hbm,
          src_v, ba_v, la_v, idx_v, rows_v, sem_in, sem_g, sem_out):
        wid = lax.axis_index("s") * _NC + lax.axis_index("c")
        base_tok = wid * t_per_w
        base_row = wid * r_per_w
        with jax.named_scope("phase_in"):
            ins = [pltpu.async_copy(src_hbm.at[pl.ds(base_tok, t_per_w)],
                                    src_v, sem_in),
                   pltpu.async_copy(ba_hbm, ba_v, sem_in),
                   pltpu.async_copy(la_hbm, la_v, sem_in)]
            for c in ins:
                c.wait()
        with jax.named_scope("phase_idx"):
            gathers = []
            for j in range(n_chunk):
                for g in range(vec_per_chunk):
                    i = j * vec_per_chunk + g
                    s = src_v[pl.ds(i * _L, _L)]
                    b = plsc.load_gather(ba_v, [s])
                    l = plsc.load_gather(la_v, [s])
                    idx_v[j, pl.ds(g * _L, _L)] = b * BLOCK + l + wid * VOCAB
                gathers.append(
                    pltpu.async_copy(table_hbm.at[idx_v.at[j]],
                                     rows_v.at[pl.ds(j * _CHUNK, _CHUNK)],
                                     sem_g))
        with jax.named_scope("phase_gwait"):
            for c in gathers:
                c.wait()
        with jax.named_scope("phase_out"):
            outs = [pltpu.async_copy(
                        rows_v.at[pl.ds(q * seq_len, seq_len)],
                        out_hbm.at[pl.ds(base_row + q * SEQ_PAD, seq_len),
                                   pl.ds(0, DIM)],
                        sem_out)
                    for q in range(s_per_w)]
            for o in outs:
                o.wait()

    return k


def kernel(src, W0, W1, block_assignment, local_assignment):
    n_seq, seq_len = src.shape
    table = jnp.concatenate([W0, W1], axis=0)
    table = jnp.tile(table, (_REP, 1))
    planes = _make_sc_gather(n_seq, seq_len)(
        src.reshape(n_seq * seq_len), block_assignment, local_assignment,
        table)
    return planes.reshape(n_seq, SEQ_PAD, PAD)[:, :seq_len, :DIM]

# --- scband reference (transcript-rebuilt; emitter-appended) ---
"""Pipeline reference for scband-block-wise-embedding-31731218383117 (READ-ONLY COPY).

The authoritative reference and input builder live on the scoring server;
editing this copy changes nothing except your own understanding.
"""

import jax, jax.numpy as jnp
import numpy as np

VOCAB = 100
BLOCK = 50
DIM = 64


def setup_inputs(seed: int = 0) -> dict:
    key = jax.random.key(seed)
    k1, k2, k3 = jax.random.split(key, 3)
    src = jax.random.randint(k1, (1024, 20), 0, VOCAB, dtype=jnp.int32)
    # learned parameters: two embedding blocks of 50 rows each, dim 64
    W0 = jax.random.normal(k2, (BLOCK, DIM), dtype=jnp.float32)
    W1 = jax.random.normal(k3, (BLOCK, DIM), dtype=jnp.float32)
    # buffers: global idx -> (block idx, local idx), matching init assignment
    idx = jnp.arange(VOCAB, dtype=jnp.int32)
    block_assignment = idx // BLOCK
    local_assignment = idx % BLOCK
    return {
        "src": src,
        "W0": W0,
        "W1": W1,
        "block_assignment": block_assignment,
        "local_assignment": local_assignment,
    }


def reference(src, W0, W1, block_assignment, local_assignment):
    # Per-token: look up block id and local row id, then fetch the row from
    # the corresponding block. Since both blocks have BLOCK rows, fetching
    # blocks[b][l] is exactly gathering row b*BLOCK + l from the stacked table.
    bidx = jnp.take(block_assignment, src)
    lidx = jnp.take(local_assignment, src)
    table = jnp.concatenate([W0, W1], axis=0)  # [VOCAB, DIM]
    flat = bidx * BLOCK + lidx
    out = jnp.take(table, flat, axis=0)  # [B, L, DIM]
    return out

if __name__ == "__main__":
    import jax
    _d = setup_inputs()
    print(jax.jit(kernel)(*tuple(_d.values())))

</pallas_src>

<mosaic_0001>
#map = affine_map<(d0, d1) -> (0)>
#map1 = affine_map<(d0, d1) -> (0, 0)>
module attributes {stable_mosaic.version = 14 : i64} {
  func.func @k(%arg0: i32, %arg1: i32, %arg2: memref<20480xi32, #tpu.memory_space<hbm>>, %arg3: memref<100xi32, #tpu.memory_space<hbm>>, %arg4: memref<100xi32, #tpu.memory_space<hbm>>, %arg5: memref<3200x64xf32, #tpu.memory_space<hbm>>, %arg6: memref<24576x128xf32, #tpu.memory_space<hbm>>, %arg7: memref<640xi32, #tpu.memory_space<vmem>>, %arg8: memref<100xi32, #tpu.memory_space<vmem>>, %arg9: memref<100xi32, #tpu.memory_space<vmem>>, %arg10: memref<5x128xi32, #tpu.memory_space<vmem>>, %arg11: memref<640x64xf32, #tpu.memory_space<vmem>>, %arg12: memref<!tpu.dma_semaphore, #tpu.memory_space<semaphore_mem>>, %arg13: memref<!tpu.dma_semaphore, #tpu.memory_space<semaphore_mem>>, %arg14: memref<!tpu.dma_semaphore, #tpu.memory_space<semaphore_mem>>) attributes {dimension_semantics = [#tpu.dimension_semantics<core_parallel>, #tpu.dimension_semantics<subcore_parallel>], iteration_bounds = array<i64: 2, 16>, scalar_prefetch = 0 : i64, scratch_operands = 8 : i64, tpu.core_type = #tpu.core_type<sc_vector_subcore>, window_params = [{transform_indices = #map}, {transform_indices = #map}, {transform_indices = #map}, {transform_indices = #map1}, {transform_indices = #map1}]} {
    %mul3A = arith.constant 2 : i32
    %mul3A_0 = arith.muli %arg1, %mul3A : i32
    %add3A = arith.addi %mul3A_0, %arg0 : i32
    %mul3A_1 = arith.constant 640 : i32
    %mul3A_2 = arith.muli %add3A, %mul3A_1 : i32
    %mul3A_3 = arith.constant 768 : i32
    %mul3A_4 = arith.muli %add3A, %mul3A_3 : i32
    "tpu.trace_start"() <{level = 10 : i32, message = "phase_in"}> : () -> ()
    %dma_start3A = tpu.memref_slice %arg2[%mul3A_2] : memref<20480xi32, #tpu.memory_space<hbm>> -> memref<640xi32, #tpu.memory_space<hbm>>
    %dma_start3A_5 = tpu.memref_slice %arg2[%mul3A_2] : memref<20480xi32, #tpu.memory_space<hbm>> -> memref<640xi32, #tpu.memory_space<hbm>>
    tpu.enqueue_dma source(%dma_start3A_5 : memref<640xi32, #tpu.memory_space<hbm>>) target(%arg7 : memref<640xi32, #tpu.memory_space<vmem>>) target_semaphore(%arg12 : memref<!tpu.dma_semaphore, #tpu.memory_space<semaphore_mem>>)
    tpu.enqueue_dma source(%arg3 : memref<100xi32, #tpu.memory_space<hbm>>) target(%arg8 : memref<100xi32, #tpu.memory_space<vmem>>) target_semaphore(%arg12 : memref<!tpu.dma_semaphore, #tpu.memory_space<semaphore_mem>>)
    tpu.enqueue_dma source(%arg4 : memref<100xi32, #tpu.memory_space<hbm>>) target(%arg9 : memref<100xi32, #tpu.memory_space<vmem>>) target_semaphore(%arg12 : memref<!tpu.dma_semaphore, #tpu.memory_space<semaphore_mem>>)
    %dma_wait3A = tpu.memref_slice %arg2[%mul3A_2] : memref<20480xi32, #tpu.memory_space<hbm>> -> memref<640xi32, #tpu.memory_space<hbm>>
    %dma_wait3A_6 = tpu.memref_slice %arg2[%mul3A_2] : memref<20480xi32, #tpu.memory_space<hbm>> -> memref<640xi32, #tpu.memory_space<hbm>>
    tpu.wait_dma2 semaphore(%arg12 : memref<!tpu.dma_semaphore, #tpu.memory_space<semaphore_mem>>) src(%dma_wait3A_6 : memref<640xi32, #tpu.memory_space<hbm>>) dst(%arg7 : memref<640xi32, #tpu.memory_space<vmem>>)
    tpu.wait_dma2 semaphore(%arg12 : memref<!tpu.dma_semaphore, #tpu.memory_space<semaphore_mem>>) src(%arg3 : memref<100xi32, #tpu.memory_space<hbm>>) dst(%arg8 : memref<100xi32, #tpu.memory_space<vmem>>)
    tpu.wait_dma2 semaphore(%arg12 : memref<!tpu.dma_semaphore, #tpu.memory_space<semaphore_mem>>) src(%arg4 : memref<100xi32, #tpu.memory_space<hbm>>) dst(%arg9 : memref<100xi32, #tpu.memory_space<vmem>>)
    "tpu.trace_stop"() : () -> ()
    "tpu.trace_start"() <{level = 10 : i32, message = "phase_idx"}> : () -> ()
    %get3A = arith.constant 0 : index
    %get3A_7 = tpu.vector_load %arg7[%get3A] {strides = array<i32>} : memref<640xi32, #tpu.memory_space<vmem>>, vector<16xi32>,
    %gather3A = tpu.vector_load_idx %arg8[%get3A_7] : memref<100xi32, #tpu.memory_space<vmem>>[vector<16xi32>], vector<16xi32>,
    %gather3A_8 = tpu.vector_load_idx %arg9[%get3A_7] : memref<100xi32, #tpu.memory_space<vmem>>[vector<16xi32>], vector<16xi32>,
    %mul3A_9 = arith.constant 50 : i32
    %mul3A_10 = vector.broadcast %mul3A_9 : i32 to vector<16xi32>
    %mul3A_11 = arith.muli %gather3A, %mul3A_10 : vector<16xi32>
    %add3A_12 = arith.addi %mul3A_11, %gather3A_8 : vector<16xi32>
    %mul3A_13 = arith.constant 100 : i32
    %mul3A_14 = arith.muli %add3A, %mul3A_13 : i32
    %add3A_15 = vector.broadcast %mul3A_14 : i32 to vector<16xi32>
    %add3A_16 = arith.addi %add3A_12, %add3A_15 : vector<16xi32>
    %swap3A = arith.constant 0 : i32
    %swap3A_17 = arith.index_cast %swap3A : i32 to index
    %swap3A_18 = arith.constant 0 : index
    %swap3A_19 = tpu.vector_load %arg10[%swap3A_17, %swap3A_18] {strides = array<i32>} : memref<5x128xi32, #tpu.memory_space<vmem>>, vector<16xi32>,
    tpu.vector_store %arg10[%swap3A_17, %swap3A_18], %add3A_16 {strides = array<i32>} : memref<5x128xi32, #tpu.memory_space<vmem>>, vector<16xi32>,
    %get3A_20 = arith.constant 16 : index
    %get3A_21 = tpu.vector_load %arg7[%get3A_20] {strides = array<i32>} : memref<640xi32, #tpu.memory_space<vmem>>, vector<16xi32>,
    %gather3A_22 = tpu.vector_load_idx %arg8[%get3A_21] : memref<100xi32, #tpu.memory_space<vmem>>[vector<16xi32>], vector<16xi32>,
    %gather3A_23 = tpu.vector_load_idx %arg9[%get3A_21] : memref<100xi32, #tpu.memory_space<vmem>>[vector<16xi32>], vector<16xi32>,
    %mul3A_24 = arith.constant 50 : i32
    %mul3A_25 = vector.broadcast %mul3A_24 : i32 to vector<16xi32>
    %mul3A_26 = arith.muli %gather3A_22, %mul3A_25 : vector<16xi32>
    %add3A_27 = arith.addi %mul3A_26, %gather3A_23 : vector<16xi32>
    %mul3A_28 = arith.constant 100 : i32
    %mul3A_29 = arith.muli %add3A, %mul3A_28 : i32
    %add3A_30 = vector.broadcast %mul3A_29 : i32 to vector<16xi32>
    %add3A_31 = arith.addi %add3A_27, %add3A_30 : vector<16xi32>
    %swap3A_32 = arith.constant 0 : i32
    %swap3A_33 = arith.index_cast %swap3A_32 : i32 to index
    %swap3A_34 = arith.constant 16 : index
    %swap3A_35 = tpu.vector_load %arg10[%swap3A_33, %swap3A_34] {strides = array<i32>} : memref<5x128xi32, #tpu.memory_space<vmem>>, vector<16xi32>,
    tpu.vector_store %arg10[%swap3A_33, %swap3A_34], %add3A_31 {strides = array<i32>} : memref<5x128xi32, #tpu.memory_space<vmem>>, vector<16xi32>,
    %get3A_36 = arith.constant 32 : index
    %get3A_37 = tpu.vector_load %arg7[%get3A_36] {strides = array<i32>} : memref<640xi32, #tpu.memory_space<vmem>>, vector<16xi32>,
    %gather3A_38 = tpu.vector_load_idx %arg8[%get3A_37] : memref<100xi32, #tpu.memory_space<vmem>>[vector<16xi32>], vector<16xi32>,
    %gather3A_39 = tpu.vector_load_idx %arg9[%get3A_37] : memref<100xi32, #tpu.memory_space<vmem>>[vector<16xi32>], vector<16xi32>,
    %mul3A_40 = arith.constant 50 : i32
    %mul3A_41 = vector.broadcast %mul3A_40 : i32 to vector<16xi32>
    %mul3A_42 = arith.muli %gather3A_38, %mul3A_41 : vector<16xi32>
    %add3A_43 = arith.addi %mul3A_42, %gather3A_39 : vector<16xi32>
    %mul3A_44 = arith.constant 100 : i32
    %mul3A_45 = arith.muli %add3A, %mul3A_44 : i32
    %add3A_46 = vector.broadcast %mul3A_45 : i32 to vector<16xi32>
    %add3A_47 = arith.addi %add3A_43, %add3A_46 : vector<16xi32>
    %swap3A_48 = arith.constant 0 : i32
    %swap3A_49 = arith.index_cast %swap3A_48 : i32 to index
    %swap3A_50 = arith.constant 32 : index
    %swap3A_51 = tpu.vector_load %arg10[%swap3A_49, %swap3A_50] {strides = array<i32>} : memref<5x128xi32, #tpu.memory_space<vmem>>, vector<16xi32>,
    tpu.vector_store %arg10[%swap3A_49, %swap3A_50], %add3A_47 {strides = array<i32>} : memref<5x128xi32, #tpu.memory_space<vmem>>, vector<16xi32>,
    %get3A_52 = arith.constant 48 : index
    %get3A_53 = tpu.vector_load %arg7[%get3A_52] {strides = array<i32>} : memref<640xi32, #tpu.memory_space<vmem>>, vector<16xi32>,
    %gather3A_54 = tpu.vector_load_idx %arg8[%get3A_53] : memref<100xi32, #tpu.memory_space<vmem>>[vector<16xi32>], vector<16xi32>,
    %gather3A_55 = tpu.vector_load_idx %arg9[%get3A_53] : memref<100xi32, #tpu.memory_space<vmem>>[vector<16xi32>], vector<16xi32>,
    %mul3A_56 = arith.constant 50 : i32
    %mul3A_57 = vector.broadcast %mul3A_56 : i32 to vector<16xi32>
    %mul3A_58 = arith.muli %gather3A_54, %mul3A_57 : vector<16xi32>
    %add3A_59 = arith.addi %mul3A_58, %gather3A_55 : vector<16xi32>
    %mul3A_60 = arith.constant 100 : i32
    %mul3A_61 = arith.muli %add3A, %mul3A_60 : i32
    %add3A_62 = vector.broadcast %mul3A_61 : i32 to vector<16xi32>
    %add3A_63 = arith.addi %add3A_59, %add3A_62 : vector<16xi32>
    %swap3A_64 = arith.constant 0 : i32
    %swap3A_65 = arith.index_cast %swap3A_64 : i32 to index
    %swap3A_66 = arith.constant 48 : index
    %swap3A_67 = tpu.vector_load %arg10[%swap3A_65, %swap3A_66] {strides = array<i32>} : memref<5x128xi32, #tpu.memory_space<vmem>>, vector<16xi32>,
    tpu.vector_store %arg10[%swap3A_65, %swap3A_66], %add3A_63 {strides = array<i32>} : memref<5x128xi32, #tpu.memory_space<vmem>>, vector<16xi32>,
    %get3A_68 = arith.constant 64 : index
    %get3A_69 = tpu.vector_load %arg7[%get3A_68] {strides = array<i32>} : memref<640xi32, #tpu.memory_space<vmem>>, vector<16xi32>,
    %gather3A_70 = tpu.vector_load_idx %arg8[%get3A_69] : memref<100xi32, #tpu.memory_space<vmem>>[vector<16xi32>], vector<16xi32>,
    %gather3A_71 = tpu.vector_load_idx %arg9[%get3A_69] : memref<100xi32, #tpu.memory_space<vmem>>[vector<16xi32>], vector<16xi32>,
    %mul3A_72 = arith.constant 50 : i32
    %mul3A_73 = vector.broadcast %mul3A_72 : i32 to vector<16xi32>
    %mul3A_74 = arith.muli %gather3A_70, %mul3A_73 : vector<16xi32>
    %add3A_75 = arith.addi %mul3A_74, %gather3A_71 : vector<16xi32>
    %mul3A_76 = arith.constant 100 : i32
    %mul3A_77 = arith.muli %add3A, %mul3A_76 : i32
    %add3A_78 = vector.broadcast %mul3A_77 : i32 to vector<16xi32>
    %add3A_79 = arith.addi %add3A_75, %add3A_78 : vector<16xi32>
    %swap3A_80 = arith.constant 0 : i32
    %swap3A_81 = arith.index_cast %swap3A_80 : i32 to index
    %swap3A_82 = arith.constant 64 : index
    %swap3A_83 = tpu.vector_load %arg10[%swap3A_81, %swap3A_82] {strides = array<i32>} : memref<5x128xi32, #tpu.memory_space<vmem>>, vector<16xi32>,
    tpu.vector_store %arg10[%swap3A_81, %swap3A_82], %add3A_79 {strides = array<i32>} : memref<5x128xi32, #tpu.memory_space<vmem>>, vector<16xi32>,
    %get3A_84 = arith.constant 80 : index
    %get3A_85 = tpu.vector_load %arg7[%get3A_84] {strides = array<i32>} : memref<640xi32, #tpu.memory_space<vmem>>, vector<16xi32>,
    %gather3A_86 = tpu.vector_load_idx %arg8[%get3A_85] : memref<100xi32, #tpu.memory_space<vmem>>[vector<16xi32>], vector<16xi32>,
    %gather3A_87 = tpu.vector_load_idx %arg9[%get3A_85] : memref<100xi32, #tpu.memory_space<vmem>>[vector<16xi32>], vector<16xi32>,
    %mul3A_88 = arith.constant 50 : i32
    %mul3A_89 = vector.broadcast %mul3A_88 : i32 to vector<16xi32>
    %mul3A_90 = arith.muli %gather3A_86, %mul3A_89 : vector<16xi32>
    %add3A_91 = arith.addi %mul3A_90, %gather3A_87 : vector<16xi32>
    %mul3A_92 = arith.constant 100 : i32
    %mul3A_93 = arith.muli %add3A, %mul3A_92 : i32
    %add3A_94 = vector.broadcast %mul3A_93 : i32 to vector<16xi32>
    %add3A_95 = arith.addi %add3A_91, %add3A_94 : vector<16xi32>
    %swap3A_96 = arith.constant 0 : i32
    %swap3A_97 = arith.index_cast %swap3A_96 : i32 to index
    %swap3A_98 = arith.constant 80 : index
    %swap3A_99 = tpu.vector_load %arg10[%swap3A_97, %swap3A_98] {strides = array<i32>} : memref<5x128xi32, #tpu.memory_space<vmem>>, vector<16xi32>,
    tpu.vector_store %arg10[%swap3A_97, %swap3A_98], %add3A_95 {strides = array<i32>} : memref<5x128xi32, #tpu.memory_space<vmem>>, vector<16xi32>,
    %get3A_100 = arith.constant 96 : index
    %get3A_101 = tpu.vector_load %arg7[%get3A_100] {strides = array<i32>} : memref<640xi32, #tpu.memory_space<vmem>>, vector<16xi32>,
    %gather3A_102 = tpu.vector_load_idx %arg8[%get3A_101] : memref<100xi32, #tpu.memory_space<vmem>>[vector<16xi32>], vector<16xi32>,
    %gather3A_103 = tpu.vector_load_idx %arg9[%get3A_101] : memref<100xi32, #tpu.memory_space<vmem>>[vector<16xi32>], vector<16xi32>,
    %mul3A_104 = arith.constant 50 : i32
    %mul3A_105 = vector.broadcast %mul3A_104 : i32 to vector<16xi32>
    %mul3A_106 = arith.muli %gather3A_102, %mul3A_105 : vector<16xi32>
    %add3A_107 = arith.addi %mul3A_106, %gather3A_103 : vector<16xi32>
    %mul3A_108 = arith.constant 100 : i32
    %mul3A_109 = arith.muli %add3A, %mul3A_108 : i32
    %add3A_110 = vector.broadcast %mul3A_109 : i32 to vector<16xi32>
    %add3A_111 = arith.addi %add3A_107, %add3A_110 : vector<16xi32>
    %swap3A_112 = arith.constant 0 : i32
    %swap3A_113 = arith.index_cast %swap3A_112 : i32 to index
    %swap3A_114 = arith.constant 96 : index
    %swap3A_115 = tpu.vector_load %arg10[%swap3A_113, %swap3A_114] {strides = array<i32>} : memref<5x128xi32, #tpu.memory_space<vmem>>, vector<16xi32>,
    tpu.vector_store %arg10[%swap3A_113, %swap3A_114], %add3A_111 {strides = array<i32>} : memref<5x128xi32, #tpu.memory_space<vmem>>, vector<16xi32>,
    %get3A_116 = arith.constant 112 : index
    %get3A_117 = tpu.vector_load %arg7[%get3A_116] {strides = array<i32>} : memref<640xi32, #tpu.memory_space<vmem>>, vector<16xi32>,
    %gather3A_118 = tpu.vector_load_idx %arg8[%get3A_117] : memref<100xi32, #tpu.memory_space<vmem>>[vector<16xi32>], vector<16xi32>,
    %gather3A_119 = tpu.vector_load_idx %arg9[%get3A_117] : memref<100xi32, #tpu.memory_space<vmem>>[vector<16xi32>], vector<16xi32>,
    %mul3A_120 = arith.constant 50 : i32
    %mul3A_121 = vector.broadcast %mul3A_120 : i32 to vector<16xi32>
    %mul3A_122 = arith.muli %gather3A_118, %mul3A_121 : vector<16xi32>
    %add3A_123 = arith.addi %mul3A_122, %gather3A_119 : vector<16xi32>
    %mul3A_124 = arith.constant 100 : i32
    %mul3A_125 = arith.muli %add3A, %mul3A_124 : i32
    %add3A_126 = vector.broadcast %mul3A_125 : i32 to vector<16xi32>
    %add3A_127 = arith.addi %add3A_123, %add3A_126 : vector<16xi32>
    %swap3A_128 = arith.constant 0 : i32
    %swap3A_129 = arith.index_cast %swap3A_128 : i32 to index
    %swap3A_130 = arith.constant 112 : index
    %swap3A_131 = tpu.vector_load %arg10[%swap3A_129, %swap3A_130] {strides = array<i32>} : memref<5x128xi32, #tpu.memory_space<vmem>>, vector<16xi32>,
    tpu.vector_store %arg10[%swap3A_129, %swap3A_130], %add3A_127 {strides = array<i32>} : memref<5x128xi32, #tpu.memory_space<vmem>>, vector<16xi32>,
    %dma_start3A_132 = arith.constant 0 : i32
    %dma_start3A_133 = arith.constant 0 : i32
    %dma_start3A_134 = arith.constant 0 : i32
    %dma_start3A_135 = tpu.memref_slice %arg11[%dma_start3A_133, %dma_start3A_134] : memref<640x64xf32, #tpu.memory_space<vmem>> -> memref<128x64xf32, #tpu.memory_space<vmem>>
    %dma_start3A_136 = arith.constant 0 : i32
    %dma_start3A_137 = tpu.memref_slice %arg10[%dma_start3A_132, %dma_start3A_136] : memref<5x128xi32, #tpu.memory_space<vmem>> -> memref<1x128xi32, #tpu.memory_space<vmem>>
    %dma_start3A_138 = tpu.memref_squeeze %dma_start3A_137 : memref<1x128xi32, #tpu.memory_space<vmem>> -> memref<128xi32, #tpu.memory_space<vmem>>
    %dma_start3A_139 = arith.constant 0 : i32
    %dma_start3A_140 = arith.constant 0 : i32
    %dma_start3A_141 = tpu.memref_slice %arg5[%dma_start3A_139, %dma_start3A_140] : memref<3200x64xf32, #tpu.memory_space<hbm>> -> memref<3200x64xf32, #tpu.memory_space<hbm>>
    tpu.enqueue_indirect_dma source(%dma_start3A_141 : memref<3200x64xf32, #tpu.memory_space<hbm>>) target(%dma_start3A_135 : memref<128x64xf32, #tpu.memory_space<vmem>>) offsets(%dma_start3A_138 : memref<128xi32, #tpu.memory_space<vmem>>) semaphore(%arg13 : memref<!tpu.dma_semaphore, #tpu.memory_space<semaphore_mem>>)
    %get3A_142 = arith.constant 128 : index
    %get3A_143 = tpu.vector_load %arg7[%get3A_142] {strides = array<i32>} : memref<640xi32, #tpu.memory_space<vmem>>, vector<16xi32>,
    %gather3A_144 = tpu.vector_load_idx %arg8[%get3A_143] : memref<100xi32, #tpu.memory_space<vmem>>[vector<16xi32>], vector<16xi32>,
    %gather3A_145 = tpu.vector_load_idx %arg9[%get3A_143] : memref<100xi32, #tpu.memory_space<vmem>>[vector<16xi32>], vector<16xi32>,
    %mul3A_146 = arith.constant 50 : i32
    %mul3A_147 = vector.broadcast %mul3A_146 : i32 to vector<16xi32>
    %mul3A_148 = arith.muli %gather3A_144, %mul3A_147 : vector<16xi32>
    %add3A_149 = arith.addi %mul3A_148, %gather3A_145 : vector<16xi32>
    %mul3A_150 = arith.constant 100 : i32
    %mul3A_151 = arith.muli %add3A, %mul3A_150 : i32
    %add3A_152 = vector.broadcast %mul3A_151 : i32 to vector<16xi32>
    %add3A_153 = arith.addi %add3A_149, %add3A_152 : vector<16xi32>
    %swap3A_154 = arith.constant 1 : i32
    %swap3A_155 = arith.index_cast %swap3A_154 : i32 to index
    %swap3A_156 = arith.constant 0 : index
    %swap3A_157 = tpu.vector_load %arg10[%swap3A_155, %swap3A_156] {strides = array<i32>} : memref<5x128xi32, #tpu.memory_space<vmem>>, vector<16xi32>,
    tpu.vector_store %arg10[%swap3A_155, %swap3A_156], %add3A_153 {strides = array<i32>} : memref<5x128xi32, #tpu.memory_space<vmem>>, vector<16xi32>,
    %get3A_158 = arith.constant 144 : index
    %get3A_159 = tpu.vector_load %arg7[%get3A_158] {strides = array<i32>} : memref<640xi32, #tpu.memory_space<vmem>>, vector<16xi32>,
    %gather3A_160 = tpu.vector_load_idx %arg8[%get3A_159] : memref<100xi32, #tpu.memory_space<vmem>>[vector<16xi32>], vector<16xi32>,
    %gather3A_161 = tpu.vector_load_idx %arg9[%get3A_159] : memref<100xi32, #tpu.memory_space<vmem>>[vector<16xi32>], vector<16xi32>,
    %mul3A_162 = arith.constant 50 : i32
    %mul3A_163 = vector.broadcast %mul3A_162 : i32 to vector<16xi32>
    %mul3A_164 = arith.muli %gather3A_160, %mul3A_163 : vector<16xi32>
    %add3A_165 = arith.addi %mul3A_164, %gather3A_161 : vector<16xi32>
    %mul3A_166 = arith.constant 100 : i32
    %mul3A_167 = arith.muli %add3A, %mul3A_166 : i32
    %add3A_168 = vector.broadcast %mul3A_167 : i32 to vector<16xi32>
    %add3A_169 = arith.addi %add3A_165, %add3A_168 : vector<16xi32>
    %swap3A_170 = arith.constant 1 : i32
    %swap3A_171 = arith.index_cast %swap3A_170 : i32 to index
    %swap3A_172 = arith.constant 16 : index
    %swap3A_173 = tpu.vector_load %arg10[%swap3A_171, %swap3A_172] {strides = array<i32>} : memref<5x128xi32, #tpu.memory_space<vmem>>, vector<16xi32>,
    tpu.vector_store %arg10[%swap3A_171, %swap3A_172], %add3A_169 {strides = array<i32>} : memref<5x128xi32, #tpu.memory_space<vmem>>, vector<16xi32>,
    %get3A_174 = arith.constant 160 : index
    %get3A_175 = tpu.vector_load %arg7[%get3A_174] {strides = array<i32>} : memref<640xi32, #tpu.memory_space<vmem>>, vector<16xi32>,
    %gather3A_176 = tpu.vector_load_idx %arg8[%get3A_175] : memref<100xi32, #tpu.memory_space<vmem>>[vector<16xi32>], vector<16xi32>,
    %gather3A_177 = tpu.vector_load_idx %arg9[%get3A_175] : memref<100xi32, #tpu.memory_space<vmem>>[vector<16xi32>], vector<16xi32>,
    %mul3A_178 = arith.constant 50 : i32
    %mul3A_179 = vector.broadcast %mul3A_178 : i32 to vector<16xi32>
    %mul3A_180 = arith.muli %gather3A_176, %mul3A_179 : vector<16xi32>
    %add3A_181 = arith.addi %mul3A_180, %gather3A_177 : vector<16xi32>
    %mul3A_182 = arith.constant 100 : i32
    %mul3A_183 = arith.muli %add3A, %mul3A_182 : i32
    %add3A_184 = vector.broadcast %mul3A_183 : i32 to vector<16xi32>
    %add3A_185 = arith.addi %add3A_181, %add3A_184 : vector<16xi32>
    %swap3A_186 = arith.constant 1 : i32
    %swap3A_187 = arith.index_cast %swap3A_186 : i32 to index
    %swap3A_188 = arith.constant 32 : index
    %swap3A_189 = tpu.vector_load %arg10[%swap3A_187, %swap3A_188] {strides = array<i32>} : memref<5x128xi32, #tpu.memory_space<vmem>>, vector<16xi32>,
    tpu.vector_store %arg10[%swap3A_187, %swap3A_188], %add3A_185 {strides = array<i32>} : memref<5x128xi32, #tpu.memory_space<vmem>>, vector<16xi32>,
    %get3A_190 = arith.constant 176 : index
    %get3A_191 = tpu.vector_load %arg7[%get3A_190] {strides = array<i32>} : memref<640xi32, #tpu.memory_space<vmem>>, vector<16xi32>,
    %gather3A_192 = tpu.vector_load_idx %arg8[%get3A_191] : memref<100xi32, #tpu.memory_space<vmem>>[vector<16xi32>], vector<16xi32>,
    %gather3A_193 = tpu.vector_load_idx %arg9[%get3A_191] : memref<100xi32, #tpu.memory_space<vmem>>[vector<16xi32>], vector<16xi32>,
    %mul3A_194 = arith.constant 50 : i32
    %mul3A_195 = vector.broadcast %mul3A_194 : i32 to vector<16xi32>
    %mul3A_196 = arith.muli %gather3A_192, %mul3A_195 : vector<16xi32>
    %add3A_197 = arith.addi %mul3A_196, %gather3A_193 : vector<16xi32>
    %mul3A_198 = arith.constant 100 : i32
    %mul3A_199 = arith.muli %add3A, %mul3A_198 : i32
    %add3A_200 = vector.broadcast %mul3A_199 : i32 to vector<16xi32>
    %add3A_201 = arith.addi %add3A_197, %add3A_200 : vector<16xi32>
    %swap3A_202 = arith.constant 1 : i32
    %swap3A_203 = arith.index_cast %swap3A_202 : i32 to index
    %swap3A_204 = arith.constant 48 : index
    %swap3A_205 = tpu.vector_load %arg10[%swap3A_203, %swap3A_204] {strides = array<i32>} : memref<5x128xi32, #tpu.memory_space<vmem>>, vector<16xi32>,
    tpu.vector_store %arg10[%swap3A_203, %swap3A_204], %add3A_201 {strides = array<i32>} : memref<5x128xi32, #tpu.memory_space<vmem>>, vector<16xi32>,
    %get3A_206 = arith.constant 192 : index
    %get3A_207 = tpu.vector_load %arg7[%get3A_206] {strides = array<i32>} : memref<640xi32, #tpu.memory_space<vmem>>, vector<16xi32>,
    %gather3A_208 = tpu.vector_load_idx %arg8[%get3A_207] : memref<100xi32, #tpu.memory_space<vmem>>[vector<16xi32>], vector<16xi32>,
    %gather3A_209 = tpu.vector_load_idx %arg9[%get3A_207] : memref<100xi32, #tpu.memory_space<vmem>>[vector<16xi32>], vector<16xi32>,
    %mul3A_210 = arith.constant 50 : i32
    %mul3A_211 = vector.broadcast %mul3A_210 : i32 to vector<16xi32>
    %mul3A_212 = arith.muli %gather3A_208, %mul3A_211 : vector<16xi32>
    %add3A_213 = arith.addi %mul3A_212, %gather3A_209 : vector<16xi32>
    %mul3A_214 = arith.constant 100 : i32
    %mul3A_215 = arith.muli %add3A, %mul3A_214 : i32
    %add3A_216 = vector.broadcast %mul3A_215 : i32 to vector<16xi32>
    %add3A_217 = arith.addi %add3A_213, %add3A_216 : vector<16xi32>
    %swap3A_218 = arith.constant 1 : i32
    %swap3A_219 = arith.index_cast %swap3A_218 : i32 to index
    %swap3A_220 = arith.constant 64 : index
    %swap3A_221 = tpu.vector_load %arg10[%swap3A_219, %swap3A_220] {strides = array<i32>} : memref<5x128xi32, #tpu.memory_space<vmem>>, vector<16xi32>,
    tpu.vector_store %arg10[%swap3A_219, %swap3A_220], %add3A_217 {strides = array<i32>} : memref<5x128xi32, #tpu.memory_space<vmem>>, vector<16xi32>,
    %get3A_222 = arith.constant 208 : index
    %get3A_223 = tpu.vector_load %arg7[%get3A_222] {strides = array<i32>} : memref<640xi32, #tpu.memory_space<vmem>>, vector<16xi32>,
    %gather3A_224 = tpu.vector_load_idx %arg8[%get3A_223] : memref<100xi32, #tpu.memory_space<vmem>>[vector<16xi32>], vector<16xi32>,
    %gather3A_225 = tpu.vector_load_idx %arg9[%get3A_223] : memref<100xi32, #tpu.memory_space<vmem>>[vector<16xi32>], vector<16xi32>,
    %mul3A_226 = arith.constant 50 : i32
    %mul3A_227 = vector.broadcast %mul3A_226 : i32 to vector<16xi32>
    %mul3A_228 = arith.muli %gather3A_224, %mul3A_227 : vector<16xi32>
    %add3A_229 = arith.addi %mul3A_228, %gather3A_225 : vector<16xi32>
    %mul3A_230 = arith.constant 100 : i32
    %mul3A_231 = arith.muli %add3A, %mul3A_230 : i32
    %add3A_232 = vector.broadcast %mul3A_231 : i32 to vector<16xi32>
    %add3A_233 = arith.addi %add3A_229, %add3A_232 : vector<16xi32>
    %swap3A_234 = arith.constant 1 : i32
    %swap3A_235 = arith.index_cast %swap3A_234 : i32 to index
    %swap3A_236 = arith.constant 80 : index
    %swap3A_237 = tpu.vector_load %arg10[%swap3A_235, %swap3A_236] {strides = array<i32>} : memref<5x128xi32, #tpu.memory_space<vmem>>, vector<16xi32>,
    tpu.vector_store %arg10[%swap3A_235, %swap3A_236], %add3A_233 {strides = array<i32>} : memref<5x128xi32, #tpu.memory_space<vmem>>, vector<16xi32>,
    %get3A_238 = arith.constant 224 : index
    %get3A_239 = tpu.vector_load %arg7[%get3A_238] {strides = array<i32>} : memref<640xi32, #tpu.memory_space<vmem>>, vector<16xi32>,
    %gather3A_240 = tpu.vector_load_idx %arg8[%get3A_239] : memref<100xi32, #tpu.memory_space<vmem>>[vector<16xi32>], vector<16xi32>,
    %gather3A_241 = tpu.vector_load_idx %arg9[%get3A_239] : memref<100xi32, #tpu.memory_space<vmem>>[vector<16xi32>], vector<16xi32>,
    %mul3A_242 = arith.constant 50 : i32
    %mul3A_243 = vector.broadcast %mul3A_242 : i32 to vector<16xi32>
    %mul3A_244 = arith.muli %gather3A_240, %mul3A_243 : vector<16xi32>
    %add3A_245 = arith.addi %mul3A_244, %gather3A_241 : vector<16xi32>
    %mul3A_246 = arith.constant 100 : i32
    %mul3A_247 = arith.muli %add3A, %mul3A_246 : i32
    %add3A_248 = vector.broadcast %mul3A_247 : i32 to vector<16xi32>
    %add3A_249 = arith.addi %add3A_245, %add3A_248 : vector<16xi32>
    %swap3A_250 = arith.constant 1 : i32
    %swap3A_251 = arith.index_cast %swap3A_250 : i32 to index
    %swap3A_252 = arith.constant 96 : index
    %swap3A_253 = tpu.vector_load %arg10[%swap3A_251, %swap3A_252] {strides = array<i32>} : memref<5x128xi32, #tpu.memory_space<vmem>>, vector<16xi32>,
    tpu.vector_store %arg10[%swap3A_251, %swap3A_252], %add3A_249 {strides = array<i32>} : memref<5x128xi32, #tpu.memory_space<vmem>>, vector<16xi32>,
    %get3A_254 = arith.constant 240 : index
    %get3A_255 = tpu.vector_load %arg7[%get3A_254] {strides = array<i32>} : memref<640xi32, #tpu.memory_space<vmem>>, vector<16xi32>,
    %gather3A_256 = tpu.vector_load_idx %arg8[%get3A_255] : memref<100xi32, #tpu.memory_space<vmem>>[vector<16xi32>], vector<16xi32>,
    %gather3A_257 = tpu.vector_load_idx %arg9[%get3A_255] : memref<100xi32, #tpu.memory_space<vmem>>[vector<16xi32>], vector<16xi32>,
    %mul3A_258 = arith.constant 50 : i32
    %mul3A_259 = vector.broadcast %mul3A_258 : i32 to vector<16xi32>
    %mul3A_260 = arith.muli %gather3A_256, %mul3A_259 : vector<16xi32>
    %add3A_261 = arith.addi %mul3A_260, %gather3A_257 : vector<16xi32>
    %mul3A_262 = arith.constant 100 : i32
    %mul3A_263 = arith.muli %add3A, %mul3A_262 : i32
    %add3A_264 = vector.broadcast %mul3A_263 : i32 to vector<16xi32>
    %add3A_265 = arith.addi %add3A_261, %add3A_264 : vector<16xi32>
    %swap3A_266 = arith.constant 1 : i32
    %swap3A_267 = arith.index_cast %swap3A_266 : i32 to index
    %swap3A_268 = arith.constant 112 : index
    %swap3A_269 = tpu.vector_load %arg10[%swap3A_267, %swap3A_268] {strides = array<i32>} : memref<5x128xi32, #tpu.memory_space<vmem>>, vector<16xi32>,
    tpu.vector_store %arg10[%swap3A_267, %swap3A_268], %add3A_265 {strides = array<i32>} : memref<5x128xi32, #tpu.memory_space<vmem>>, vector<16xi32>,
    %dma_start3A_270 = arith.constant 1 : i32
    %dma_start3A_271 = arith.constant 128 : i32
    %dma_start3A_272 = arith.constant 0 : i32
    %dma_start3A_273 = tpu.memref_slice %arg11[%dma_start3A_271, %dma_start3A_272] : memref<640x64xf32, #tpu.memory_space<vmem>> -> memref<128x64xf32, #tpu.memory_space<vmem>>
    %dma_start3A_274 = arith.constant 0 : i32
    %dma_start3A_275 = tpu.memref_slice %arg10[%dma_start3A_270, %dma_start3A_274] : memref<5x128xi32, #tpu.memory_space<vmem>> -> memref<1x128xi32, #tpu.memory_space<vmem>>
    %dma_start3A_276 = tpu.memref_squeeze %dma_start3A_275 : memref<1x128xi32, #tpu.memory_space<vmem>> -> memref<128xi32, #tpu.memory_space<vmem>>
    %dma_start3A_277 = arith.constant 0 : i32
    %dma_start3A_278 = arith.constant 0 : i32
    %dma_start3A_279 = tpu.memref_slice %arg5[%dma_start3A_277, %dma_start3A_278] : memref<3200x64xf32, #tpu.memory_space<hbm>> -> memref<3200x64xf32, #tpu.memory_space<hbm>>
    tpu.enqueue_indirect_dma source(%dma_start3A_279 : memref<3200x64xf32, #tpu.memory_space<hbm>>) target(%dma_start3A_273 : memref<128x64xf32, #tpu.memory_space<vmem>>) offsets(%dma_start3A_276 : memref<128xi32, #tpu.memory_space<vmem>>) semaphore(%arg13 : memref<!tpu.dma_semaphore, #tpu.memory_space<semaphore_mem>>)
    %get3A_280 = arith.constant 256 : index
    %get3A_281 = tpu.vector_load %arg7[%get3A_280] {strides = array<i32>} : memref<640xi32, #tpu.memory_space<vmem>>, vector<16xi32>,
    %gather3A_282 = tpu.vector_load_idx %arg8[%get3A_281] : memref<100xi32, #tpu.memory_space<vmem>>[vector<16xi32>], vector<16xi32>,
    %gather3A_283 = tpu.vector_load_idx %arg9[%get3A_281] : memref<100xi32, #tpu.memory_space<vmem>>[vector<16xi32>], vector<16xi32>,
    %mul3A_284 = arith.constant 50 : i32
    %mul3A_285 = vector.broadcast %mul3A_284 : i32 to vector<16xi32>
    %mul3A_286 = arith.muli %gather3A_282, %mul3A_285 : vector<16xi32>
    %add3A_287 = arith.addi %mul3A_286, %gather3A_283 : vector<16xi32>
    %mul3A_288 = arith.constant 100 : i32
    %mul3A_289 = arith.muli %add3A, %mul3A_288 : i32
    %add3A_290 = vector.broadcast %mul3A_289 : i32 to vector<16xi32>
    %add3A_291 = arith.addi %add3A_287, %add3A_290 : vector<16xi32>
    %swap3A_292 = arith.constant 2 : i32
    %swap3A_293 = arith.index_cast %swap3A_292 : i32 to index
    %swap3A_294 = arith.constant 0 : index
    %swap3A_295 = tpu.vector_load %arg10[%swap3A_293, %swap3A_294] {strides = array<i32>} : memref<5x128xi32, #tpu.memory_space<vmem>>, vector<16xi32>,
    tpu.vector_store %arg10[%swap3A_293, %swap3A_294], %add3A_291 {strides = array<i32>} : memref<5x128xi32, #tpu.memory_space<vmem>>, vector<16xi32>,
    %get3A_296 = arith.constant 272 : index
    %get3A_297 = tpu.vector_load %arg7[%get3A_296] {strides = array<i32>} : memref<640xi32, #tpu.memory_space<vmem>>, vector<16xi32>,
    %gather3A_298 = tpu.vector_load_idx %arg8[%get3A_297] : memref<100xi32, #tpu.memory_space<vmem>>[vector<16xi32>], vector<16xi32>,
    %gather3A_299 = tpu.vector_load_idx %arg9[%get3A_297] : memref<100xi32, #tpu.memory_space<vmem>>[vector<16xi32>], vector<16xi32>,
    %mul3A_300 = arith.constant 50 : i32
    %mul3A_301 = vector.broadcast %mul3A_300 : i32 to vector<16xi32>
    %mul3A_302 = arith.muli %gather3A_298, %mul3A_301 : vector<16xi32>
    %add3A_303 = arith.addi %mul3A_302, %gather3A_299 : vector<16xi32>
    %mul3A_304 = arith.constant 100 : i32
    %mul3A_305 = arith.muli %add3A, %mul3A_304 : i32
    %add3A_306 = vector.broadcast %mul3A_305 : i32 to vector<16xi32>
    %add3A_307 = arith.addi %add3A_303, %add3A_306 : vector<16xi32>
    %swap3A_308 = arith.constant 2 : i32
    %swap3A_309 = arith.index_cast %swap3A_308 : i32 to index
    %swap3A_310 = arith.constant 16 : index
    %swap3A_311 = tpu.vector_load %arg10[%swap3A_309, %swap3A_310] {strides = array<i32>} : memref<5x128xi32, #tpu.memory_space<vmem>>, vector<16xi32>,
    tpu.vector_store %arg10[%swap3A_309, %swap3A_310], %add3A_307 {strides = array<i32>} : memref<5x128xi32, #tpu.memory_space<vmem>>, vector<16xi32>,
    %get3A_312 = arith.constant 288 : index
    %get3A_313 = tpu.vector_load %arg7[%get3A_312] {strides = array<i32>} : memref<640xi32, #tpu.memory_space<vmem>>, vector<16xi32>,
    %gather3A_314 = tpu.vector_load_idx %arg8[%get3A_313] : memref<100xi32, #tpu.memory_space<vmem>>[vector<16xi32>], vector<16xi32>,
    %gather3A_315 = tpu.vector_load_idx %arg9[%get3A_313] : memref<100xi32, #tpu.memory_space<vmem>>[vector<16xi32>], vector<16xi32>,
    %mul3A_316 = arith.constant 50 : i32
    %mul3A_317 = vector.broadcast %mul3A_316 : i32 to vector<16xi32>
    %mul3A_318 = arith.muli %gather3A_314, %mul3A_317 : vector<16xi32>
    %add3A_319 = arith.addi %mul3A_318, %gather3A_315 : vector<16xi32>
    %mul3A_320 = arith.constant 100 : i32
    %mul3A_321 = arith.muli %add3A, %mul3A_320 : i32
    %add3A_322 = vector.broadcast %mul3A_321 : i32 to vector<16xi32>
    %add3A_323 = arith.addi %add3A_319, %add3A_322 : vector<16xi32>
    %swap3A_324 = arith.constant 2 : i32
    %swap3A_325 = arith.index_cast %swap3A_324 : i32 to index
    %swap3A_326 = arith.constant 32 : index
    %swap3A_327 = tpu.vector_load %arg10[%swap3A_325, %swap3A_326] {strides = array<i32>} : memref<5x128xi32, #tpu.memory_space<vmem>>, vector<16xi32>,
    tpu.vector_store %arg10[%swap3A_325, %swap3A_326], %add3A_323 {strides = array<i32>} : memref<5x128xi32, #tpu.memory_space<vmem>>, vector<16xi32>,
    %get3A_328 = arith.constant 304 : index
    %get3A_329 = tpu.vector_load %arg7[%get3A_328] {strides = array<i32>} : memref<640xi32, #tpu.memory_space<vmem>>, vector<16xi32>,
    %gather3A_330 = tpu.vector_load_idx %arg8[%get3A_329] : memref<100xi32, #tpu.memory_space<vmem>>[vector<16xi32>], vector<16xi32>,
    %gather3A_331 = tpu.vector_load_idx %arg9[%get3A_329] : memref<100xi32, #tpu.memory_space<vmem>>[vector<16xi32>], vector<16xi32>,
    %mul3A_332 = arith.constant 50 : i32
    %mul3A_333 = vector.broadcast %mul3A_332 : i32 to vector<16xi32>
    %mul3A_334 = arith.muli %gather3A_330, %mul3A_333 : vector<16xi32>
    %add3A_335 = arith.addi %mul3A_334, %gather3A_331 : vector<16xi32>
    %mul3A_336 = arith.constant 100 : i32
    %mul3A_337 = arith.muli %add3A, %mul3A_336 : i32
    %add3A_338 = vector.broadcast %mul3A_337 : i32 to vector<16xi32>
    %add3A_339 = arith.addi %add3A_335, %add3A_338 : vector<16xi32>
    %swap3A_340 = arith.constant 2 : i32
    %swap3A_341 = arith.index_cast %swap3A_340 : i32 to index
    %swap3A_342 = arith.constant 48 : index
    %swap3A_343 = tpu.vector_load %arg10[%swap3A_341, %swap3A_342] {strides = array<i32>} : memref<5x128xi32, #tpu.memory_space<vmem>>, vector<16xi32>,
    tpu.vector_store %arg10[%swap3A_341, %swap3A_342], %add3A_339 {strides = array<i32>} : memref<5x128xi32, #tpu.memory_space<vmem>>, vector<16xi32>,
    %get3A_344 = arith.constant 320 : index
    %get3A_345 = tpu.vector_load %arg7[%get3A_344] {strides = array<i32>} : memref<640xi32, #tpu.memory_space<vmem>>, vector<16xi32>,
    %gather3A_346 = tpu.vector_load_idx %arg8[%get3A_345] : memref<100xi32, #tpu.memory_space<vmem>>[vector<16xi32>], vector<16xi32>,
    %gather3A_347 = tpu.vector_load_idx %arg9[%get3A_345] : memref<100xi32, #tpu.memory_space<vmem>>[vector<16xi32>], vector<16xi32>,
    %mul3A_348 = arith.constant 50 : i32
    %mul3A_349 = vector.broadcast %mul3A_348 : i32 to vector<16xi32>
    %mul3A_350 = arith.muli %gather3A_346, %mul3A_349 : vector<16xi32>
    %add3A_351 = arith.addi %mul3A_350, %gather3A_347 : vector<16xi32>
    %mul3A_352 = arith.constant 100 : i32
    %mul3A_353 = arith.muli %add3A, %mul3A_352 : i32
    %add3A_354 = vector.broadcast %mul3A_353 : i32 to vector<16xi32>
    %add3A_355 = arith.addi %add3A_351, %add3A_354 : vector<16xi32>
    %swap3A_356 = arith.constant 2 : i32
    %swap3A_357 = arith.index_cast %swap3A_356 : i32 to index
    %swap3A_358 = arith.constant 64 : index
    %swap3A_359 = tpu.vector_load %arg10[%swap3A_357, %swap3A_358] {strides = array<i32>} : memref<5x128xi32, #tpu.memory_space<vmem>>, vector<16xi32>,
    tpu.vector_store %arg10[%swap3A_357, %swap3A_358], %add3A_355 {strides = array<i32>} : memref<5x128xi32, #tpu.memory_space<vmem>>, vector<16xi32>,
    %get3A_360 = arith.constant 336 : index
    %get3A_361 = tpu.vector_load %arg7[%get3A_360] {strides = array<i32>} : memref<640xi32, #tpu.memory_space<vmem>>, vector<16xi32>,
    %gather3A_362 = tpu.vector_load_idx %arg8[%get3A_361] : memref<100xi32, #tpu.memory_space<vmem>>[vector<16xi32>], vector<16xi32>,
    %gather3A_363 = tpu.vector_load_idx %arg9[%get3A_361] : memref<100xi32, #tpu.memory_space<vmem>>[vector<16xi32>], vector<16xi32>,
    %mul3A_364 = arith.constant 50 : i32
    %mul3A_365 = vector.broadcast %mul3A_364 : i32 to vector<16xi32>
    %mul3A_366 = arith.muli %gather3A_362, %mul3A_365 : vector<16xi32>
    %add3A_367 = arith.addi %mul3A_366, %gather3A_363 : vector<16xi32>
    %mul3A_368 = arith.constant 100 : i32
    %mul3A_369 = arith.muli %add3A, %mul3A_368 : i32
    %add3A_370 = vector.broadcast %mul3A_369 : i32 to vector<16xi32>
    %add3A_371 = arith.addi %add3A_367, %add3A_370 : vector<16xi32>
    %swap3A_372 = arith.constant 2 : i32
    %swap3A_373 = arith.index_cast %swap3A_372 : i32 to index
    %swap3A_374 = arith.constant 80 : index
    %swap3A_375 = tpu.vector_load %arg10[%swap3A_373, %swap3A_374] {strides = array<i32>} : memref<5x128xi32, #tpu.memory_space<vmem>>, vector<16xi32>,
    tpu.vector_store %arg10[%swap3A_373, %swap3A_374], %add3A_371 {strides = array<i32>} : memref<5x128xi32, #tpu.memory_space<vmem>>, vector<16xi32>,
    %get3A_376 = arith.constant 352 : index
    %get3A_377 = tpu.vector_load %arg7[%get3A_376] {strides = array<i32>} : memref<640xi32, #tpu.memory_space<vmem>>, vector<16xi32>,
    %gather3A_378 = tpu.vector_load_idx %arg8[%get3A_377] : memref<100xi32, #tpu.memory_space<vmem>>[vector<16xi32>], vector<16xi32>,
    %gather3A_379 = tpu.vector_load_idx %arg9[%get3A_377] : memref<100xi32, #tpu.memory_space<vmem>>[vector<16xi32>], vector<16xi32>,
    %mul3A_380 = arith.constant 50 : i32
    %mul3A_381 = vector.broadcast %mul3A_380 : i32 to vector<16xi32>
    %mul3A_382 = arith.muli %gather3A_378, %mul3A_381 : vector<16xi32>
    %add3A_383 = arith.addi %mul3A_382, %gather3A_379 : vector<16xi32>
    %mul3A_384 = arith.constant 100 : i32
    %mul3A_385 = arith.muli %add3A, %mul3A_384 : i32
    %add3A_386 = vector.broadcast %mul3A_385 : i32 to vector<16xi32>
    %add3A_387 = arith.addi %add3A_383, %add3A_386 : vector<16xi32>
    %swap3A_388 = arith.constant 2 : i32
    %swap3A_389 = arith.index_cast %swap3A_388 : i32 to index
    %swap3A_390 = arith.constant 96 : index
    %swap3A_391 = tpu.vector_load %arg10[%swap3A_389, %swap3A_390] {strides = array<i32>} : memref<5x128xi32, #tpu.memory_space<vmem>>, vector<16xi32>,
    tpu.vector_store %arg10[%swap3A_389, %swap3A_390], %add3A_387 {strides = array<i32>} : memref<5x128xi32, #tpu.memory_space<vmem>>, vector<16xi32>,
    %get3A_392 = arith.constant 368 : index
    %get3A_393 = tpu.vector_load %arg7[%get3A_392] {strides = array<i32>} : memref<640xi32, #tpu.memory_space<vmem>>, vector<16xi32>,
    %gather3A_394 = tpu.vector_load_idx %arg8[%get3A_393] : memref<100xi32, #tpu.memory_space<vmem>>[vector<16xi32>], vector<16xi32>,
    %gather3A_395 = tpu.vector_load_idx %arg9[%get3A_393] : memref<100xi32, #tpu.memory_space<vmem>>[vector<16xi32>], vector<16xi32>,
    %mul3A_396 = arith.constant 50 : i32
    %mul3A_397 = vector.broadcast %mul3A_396 : i32 to vector<16xi32>
    %mul3A_398 = arith.muli %gather3A_394, %mul3A_397 : vector<16xi32>
    %add3A_399 = arith.addi %mul3A_398, %gather3A_395 : vector<16xi32>
    %mul3A_400 = arith.constant 100 : i32
    %mul3A_401 = arith.muli %add3A, %mul3A_400 : i32
    %add3A_402 = vector.broadcast %mul3A_401 : i32 to vector<16xi32>
    %add3A_403 = arith.addi %add3A_399, %add3A_402 : vector<16xi32>
    %swap3A_404 = arith.constant 2 : i32
    %swap3A_405 = arith.index_cast %swap3A_404 : i32 to index
    %swap3A_406 = arith.constant 112 : index
    %swap3A_407 = tpu.vector_load %arg10[%swap3A_405, %swap3A_406] {strides = array<i32>} : memref<5x128xi32, #tpu.memory_space<vmem>>, vector<16xi32>,
    tpu.vector_store %arg10[%swap3A_405, %swap3A_406], %add3A_403 {strides = array<i32>} : memref<5x128xi32, #tpu.memory_space<vmem>>, vector<16xi32>,
    %dma_start3A_408 = arith.constant 2 : i32
    %dma_start3A_409 = arith.constant 256 : i32
    %dma_start3A_410 = arith.constant 0 : i32
    %dma_start3A_411 = tpu.memref_slice %arg11[%dma_start3A_409, %dma_start3A_410] : memref<640x64xf32, #tpu.memory_space<vmem>> -> memref<128x64xf32, #tpu.memory_space<vmem>>
    %dma_start3A_412 = arith.constant 0 : i32
    %dma_start3A_413 = tpu.memref_slice %arg10[%dma_start3A_408, %dma_start3A_412] : memref<5x128xi32, #tpu.memory_space<vmem>> -> memref<1x128xi32, #tpu.memory_space<vmem>>
    %dma_start3A_414 = tpu.memref_squeeze %dma_start3A_413 : memref<1x128xi32, #tpu.memory_space<vmem>> -> memref<128xi32, #tpu.memory_space<vmem>>
    %dma_start3A_415 = arith.constant 0 : i32
    %dma_start3A_416 = arith.constant 0 : i32
    %dma_start3A_417 = tpu.memref_slice %arg5[%dma_start3A_415, %dma_start3A_416] : memref<3200x64xf32, #tpu.memory_space<hbm>> -> memref<3200x64xf32, #tpu.memory_space<hbm>>
    tpu.enqueue_indirect_dma source(%dma_start3A_417 : memref<3200x64xf32, #tpu.memory_space<hbm>>) target(%dma_start3A_411 : memref<128x64xf32, #tpu.memory_space<vmem>>) offsets(%dma_start3A_414 : memref<128xi32, #tpu.memory_space<vmem>>) semaphore(%arg13 : memref<!tpu.dma_semaphore, #tpu.memory_space<semaphore_mem>>)
    %get3A_418 = arith.constant 384 : index
    %get3A_419 = tpu.vector_load %arg7[%get3A_418] {strides = array<i32>} : memref<640xi32, #tpu.memory_space<vmem>>, vector<16xi32>,
    %gather3A_420 = tpu.vector_load_idx %arg8[%get3A_419] : memref<100xi32, #tpu.memory_space<vmem>>[vector<16xi32>], vector<16xi32>,
    %gather3A_421 = tpu.vector_load_idx %arg9[%get3A_419] : memref<100xi32, #tpu.memory_space<vmem>>[vector<16xi32>], vector<16xi32>,
    %mul3A_422 = arith.constant 50 : i32
    %mul3A_423 = vector.broadcast %mul3A_422 : i32 to vector<16xi32>
    %mul3A_424 = arith.muli %gather3A_420, %mul3A_423 : vector<16xi32>
    %add3A_425 = arith.addi %mul3A_424, %gather3A_421 : vector<16xi32>
    %mul3A_426 = arith.constant 100 : i32
    %mul3A_427 = arith.muli %add3A, %mul3A_426 : i32
    %add3A_428 = vector.broadcast %mul3A_427 : i32 to vector<16xi32>
    %add3A_429 = arith.addi %add3A_425, %add3A_428 : vector<16xi32>
    %swap3A_430 = arith.constant 3 : i32
    %swap3A_431 = arith.index_cast %swap3A_430 : i32 to index
    %swap3A_432 = arith.constant 0 : index
    %swap3A_433 = tpu.vector_load %arg10[%swap3A_431, %swap3A_432] {strides = array<i32>} : memref<5x128xi32, #tpu.memory_space<vmem>>, vector<16xi32>,
    tpu.vector_store %arg10[%swap3A_431, %swap3A_432], %add3A_429 {strides = array<i32>} : memref<5x128xi32, #tpu.memory_space<vmem>>, vector<16xi32>,
    %get3A_434 = arith.constant 400 : index
    %get3A_435 = tpu.vector_load %arg7[%get3A_434] {strides = array<i32>} : memref<640xi32, #tpu.memory_space<vmem>>, vector<16xi32>,
    %gather3A_436 = tpu.vector_load_idx %arg8[%get3A_435] : memref<100xi32, #tpu.memory_space<vmem>>[vector<16xi32>], vector<16xi32>,
    %gather3A_437 = tpu.vector_load_idx %arg9[%get3A_435] : memref<100xi32, #tpu.memory_space<vmem>>[vector<16xi32>], vector<16xi32>,
    %mul3A_438 = arith.constant 50 : i32
    %mul3A_439 = vector.broadcast %mul3A_438 : i32 to vector<16xi32>
    %mul3A_440 = arith.muli %gather3A_436, %mul3A_439 : vector<16xi32>
    %add3A_441 = arith.addi %mul3A_440, %gather3A_437 : vector<16xi32>
    %mul3A_442 = arith.constant 100 : i32
    %mul3A_443 = arith.muli %add3A, %mul3A_442 : i32
    %add3A_444 = vector.broadcast %mul3A_443 : i32 to vector<16xi32>
    %add3A_445 = arith.addi %add3A_441, %add3A_444 : vector<16xi32>
    %swap3A_446 = arith.constant 3 : i32
    %swap3A_447 = arith.index_cast %swap3A_446 : i32 to index
    %swap3A_448 = arith.constant 16 : index
    %swap3A_449 = tpu.vector_load %arg10[%swap3A_447, %swap3A_448] {strides = array<i32>} : memref<5x128xi32, #tpu.memory_space<vmem>>, vector<16xi32>,
    tpu.vector_store %arg10[%swap3A_447, %swap3A_448], %add3A_445 {strides = array<i32>} : memref<5x128xi32, #tpu.memory_space<vmem>>, vector<16xi32>,
    %get3A_450 = arith.constant 416 : index
    %get3A_451 = tpu.vector_load %arg7[%get3A_450] {strides = array<i32>} : memref<640xi32, #tpu.memory_space<vmem>>, vector<16xi32>,
    %gather3A_452 = tpu.vector_load_idx %arg8[%get3A_451] : memref<100xi32, #tpu.memory_space<vmem>>[vector<16xi32>], vector<16xi32>,
    %gather3A_453 = tpu.vector_load_idx %arg9[%get3A_451] : memref<100xi32, #tpu.memory_space<vmem>>[vector<16xi32>], vector<16xi32>,
    %mul3A_454 = arith.constant 50 : i32
    %mul3A_455 = vector.broadcast %mul3A_454 : i32 to vector<16xi32>
    %mul3A_456 = arith.muli %gather3A_452, %mul3A_455 : vector<16xi32>
    %add3A_457 = arith.addi %mul3A_456, %gather3A_453 : vector<16xi32>
    %mul3A_458 = arith.constant 100 : i32
    %mul3A_459 = arith.muli %add3A, %mul3A_458 : i32
    %add3A_460 = vector.broadcast %mul3A_459 : i32 to vector<16xi32>
    %add3A_461 = arith.addi %add3A_457, %add3A_460 : vector<16xi32>
    %swap3A_462 = arith.constant 3 : i32
    %swap3A_463 = arith.index_cast %swap3A_462 : i32 to index
    %swap3A_464 = arith.constant 32 : index
    %swap3A_465 = tpu.vector_load %arg10[%swap3A_463, %swap3A_464] {strides = array<i32>} : memref<5x128xi32, #tpu.memory_space<vmem>>, vector<16xi32>,
    tpu.vector_store %arg10[%swap3A_463, %swap3A_464], %add3A_461 {strides = array<i32>} : memref<5x128xi32, #tpu.memory_space<vmem>>, vector<16xi32>,
    %get3A_466 = arith.constant 432 : index
    %get3A_467 = tpu.vector_load %arg7[%get3A_466] {strides = array<i32>} : memref<640xi32, #tpu.memory_space<vmem>>, vector<16xi32>,
    %gather3A_468 = tpu.vector_load_idx %arg8[%get3A_467] : memref<100xi32, #tpu.memory_space<vmem>>[vector<16xi32>], vector<16xi32>,
    %gather3A_469 = tpu.vector_load_idx %arg9[%get3A_467] : memref<100xi32, #tpu.memory_space<vmem>>[vector<16xi32>], vector<16xi32>,
    %mul3A_470 = arith.constant 50 : i32
    %mul3A_471 = vector.broadcast %mul3A_470 : i32 to vector<16xi32>
    %mul3A_472 = arith.muli %gather3A_468, %mul3A_471 : vector<16xi32>
    %add3A_473 = arith.addi %mul3A_472, %gather3A_469 : vector<16xi32>
    %mul3A_474 = arith.constant 100 : i32
    %mul3A_475 = arith.muli %add3A, %mul3A_474 : i32
    %add3A_476 = vector.broadcast %mul3A_475 : i32 to vector<16xi32>
    %add3A_477 = arith.addi %add3A_473, %add3A_476 : vector<16xi32>
    %swap3A_478 = arith.constant 3 : i32
    %swap3A_479 = arith.index_cast %swap3A_478 : i32 to index
    %swap3A_480 = arith.constant 48 : index
    %swap3A_481 = tpu.vector_load %arg10[%swap3A_479, %swap3A_480] {strides = array<i32>} : memref<5x128xi32, #tpu.memory_space<vmem>>, vector<16xi32>,
    tpu.vector_store %arg10[%swap3A_479, %swap3A_480], %add3A_477 {strides = array<i32>} : memref<5x128xi32, #tpu.memory_space<vmem>>, vector<16xi32>,
    %get3A_482 = arith.constant 448 : index
    %get3A_483 = tpu.vector_load %arg7[%get3A_482] {strides = array<i32>} : memref<640xi32, #tpu.memory_space<vmem>>, vector<16xi32>,
    %gather3A_484 = tpu.vector_load_idx %arg8[%get3A_483] : memref<100xi32, #tpu.memory_space<vmem>>[vector<16xi32>], vector<16xi32>,
    %gather3A_485 = tpu.vector_load_idx %arg9[%get3A_483] : memref<100xi32, #tpu.memory_space<vmem>>[vector<16xi32>], vector<16xi32>,
    %mul3A_486 = arith.constant 50 : i32
    %mul3A_487 = vector.broadcast %mul3A_486 : i32 to vector<16xi32>
    %mul3A_488 = arith.muli %gather3A_484, %mul3A_487 : vector<16xi32>
    %add3A_489 = arith.addi %mul3A_488, %gather3A_485 : vector<16xi32>
    %mul3A_490 = arith.constant 100 : i32
    %mul3A_491 = arith.muli %add3A, %mul3A_490 : i32
    %add3A_492 = vector.broadcast %mul3A_491 : i32 to vector<16xi32>
    %add3A_493 = arith.addi %add3A_489, %add3A_492 : vector<16xi32>
    %swap3A_494 = arith.constant 3 : i32
    %swap3A_495 = arith.index_cast %swap3A_494 : i32 to index
    %swap3A_496 = arith.constant 64 : index
    %swap3A_497 = tpu.vector_load %arg10[%swap3A_495, %swap3A_496] {strides = array<i32>} : memref<5x128xi32, #tpu.memory_space<vmem>>, vector<16xi32>,
    tpu.vector_store %arg10[%swap3A_495, %swap3A_496], %add3A_493 {strides = array<i32>} : memref<5x128xi32, #tpu.memory_space<vmem>>, vector<16xi32>,
    %get3A_498 = arith.constant 464 : index
    %get3A_499 = tpu.vector_load %arg7[%get3A_498] {strides = array<i32>} : memref<640xi32, #tpu.memory_space<vmem>>, vector<16xi32>,
    %gather3A_500 = tpu.vector_load_idx %arg8[%get3A_499] : memref<100xi32, #tpu.memory_space<vmem>>[vector<16xi32>], vector<16xi32>,
    %gather3A_501 = tpu.vector_load_idx %arg9[%get3A_499] : memref<100xi32, #tpu.memory_space<vmem>>[vector<16xi32>], vector<16xi32>,
    %mul3A_502 = arith.constant 50 : i32
    %mul3A_503 = vector.broadcast %mul3A_502 : i32 to vector<16xi32>
    %mul3A_504 = arith.muli %gather3A_500, %mul3A_503 : vector<16xi32>
    %add3A_505 = arith.addi %mul3A_504, %gather3A_501 : vector<16xi32>
    %mul3A_506 = arith.constant 100 : i32
    %mul3A_507 = arith.muli %add3A, %mul3A_506 : i32
    %add3A_508 = vector.broadcast %mul3A_507 : i32 to vector<16xi32>
    %add3A_509 = arith.addi %add3A_505, %add3A_508 : vector<16xi32>
    %swap3A_510 = arith.constant 3 : i32
    %swap3A_511 = arith.index_cast %swap3A_510 : i32 to index
    %swap3A_512 = arith.constant 80 : index
    %swap3A_513 = tpu.vector_load %arg10[%swap3A_511, %swap3A_512] {strides = array<i32>} : memref<5x128xi32, #tpu.memory_space<vmem>>, vector<16xi32>,
    tpu.vector_store %arg10[%swap3A_511, %swap3A_512], %add3A_509 {strides = array<i32>} : memref<5x128xi32, #tpu.memory_space<vmem>>, vector<16xi32>,
    %get3A_514 = arith.constant 480 : index
    %get3A_515 = tpu.vector_load %arg7[%get3A_514] {strides = array<i32>} : memref<640xi32, #tpu.memory_space<vmem>>, vector<16xi32>,
    %gather3A_516 = tpu.vector_load_idx %arg8[%get3A_515] : memref<100xi32, #tpu.memory_space<vmem>>[vector<16xi32>], vector<16xi32>,
    %gather3A_517 = tpu.vector_load_idx %arg9[%get3A_515] : memref<100xi32, #tpu.memory_space<vmem>>[vector<16xi32>], vector<16xi32>,
    %mul3A_518 = arith.constant 50 : i32
    %mul3A_519 = vector.broadcast %mul3A_518 : i32 to vector<16xi32>
    %mul3A_520 = arith.muli %gather3A_516, %mul3A_519 : vector<16xi32>
    %add3A_521 = arith.addi %mul3A_520, %gather3A_517 : vector<16xi32>
    %mul3A_522 = arith.constant 100 : i32
    %mul3A_523 = arith.muli %add3A, %mul3A_522 : i32
    %add3A_524 = vector.broadcast %mul3A_523 : i32 to vector<16xi32>
    %add3A_525 = arith.addi %add3A_521, %add3A_524 : vector<16xi32>
    %swap3A_526 = arith.constant 3 : i32
    %swap3A_527 = arith.index_cast %swap3A_526 : i32 to index
    %swap3A_528 = arith.constant 96 : index
    %swap3A_529 = tpu.vector_load %arg10[%swap3A_527, %swap3A_528] {strides = array<i32>} : memref<5x128xi32, #tpu.memory_space<vmem>>, vector<16xi32>,
    tpu.vector_store %arg10[%swap3A_527, %swap3A_528], %add3A_525 {strides = array<i32>} : memref<5x128xi32, #tpu.memory_space<vmem>>, vector<16xi32>,
    %get3A_530 = arith.constant 496 : index
    %get3A_531 = tpu.vector_load %arg7[%get3A_530] {strides = array<i32>} : memref<640xi32, #tpu.memory_space<vmem>>, vector<16xi32>,
    %gather3A_532 = tpu.vector_load_idx %arg8[%get3A_531] : memref<100xi32, #tpu.memory_space<vmem>>[vector<16xi32>], vector<16xi32>,
    %gather3A_533 = tpu.vector_load_idx %arg9[%get3A_531] : memref<100xi32, #tpu.memory_space<vmem>>[vector<16xi32>], vector<16xi32>,
    %mul3A_534 = arith.constant 50 : i32
    %mul3A_535 = vector.broadcast %mul3A_534 : i32 to vector<16xi32>
    %mul3A_536 = arith.muli %gather3A_532, %mul3A_535 : vector<16xi32>
    %add3A_537 = arith.addi %mul3A_536, %gather3A_533 : vector<16xi32>
    %mul3A_538 = arith.constant 100 : i32
    %mul3A_539 = arith.muli %add3A, %mul3A_538 : i32
    %add3A_540 = vector.broadcast %mul3A_539 : i32 to vector<16xi32>
    %add3A_541 = arith.addi %add3A_537, %add3A_540 : vector<16xi32>
    %swap3A_542 = arith.constant 3 : i32
    %swap3A_543 = arith.index_cast %swap3A_542 : i32 to index
    %swap3A_544 = arith.constant 112 : index
    %swap3A_545 = tpu.vector_load %arg10[%swap3A_543, %swap3A_544] {strides = array<i32>} : memref<5x128xi32, #tpu.memory_space<vmem>>, vector<16xi32>,
    tpu.vector_store %arg10[%swap3A_543, %swap3A_544], %add3A_541 {strides = array<i32>} : memref<5x128xi32, #tpu.memory_space<vmem>>, vector<16xi32>,
    %dma_start3A_546 = arith.constant 3 : i32
    %dma_start3A_547 = arith.constant 384 : i32
    %dma_start3A_548 = arith.constant 0 : i32
    %dma_start3A_549 = tpu.memref_slice %arg11[%dma_start3A_547, %dma_start3A_548] : memref<640x64xf32, #tpu.memory_space<vmem>> -> memref<128x64xf32, #tpu.memory_space<vmem>>
    %dma_start3A_550 = arith.constant 0 : i32
    %dma_start3A_551 = tpu.memref_slice %arg10[%dma_start3A_546, %dma_start3A_550] : memref<5x128xi32, #tpu.memory_space<vmem>> -> memref<1x128xi32, #tpu.memory_space<vmem>>
    %dma_start3A_552 = tpu.memref_squeeze %dma_start3A_551 : memref<1x128xi32, #tpu.memory_space<vmem>> -> memref<128xi32, #tpu.memory_space<vmem>>
    %dma_start3A_553 = arith.constant 0 : i32
    %dma_start3A_554 = arith.constant 0 : i32
    %dma_start3A_555 = tpu.memref_slice %arg5[%dma_start3A_553, %dma_start3A_554] : memref<3200x64xf32, #tpu.memory_space<hbm>> -> memref<3200x64xf32, #tpu.memory_space<hbm>>
    tpu.enqueue_indirect_dma source(%dma_start3A_555 : memref<3200x64xf32, #tpu.memory_space<hbm>>) target(%dma_start3A_549 : memref<128x64xf32, #tpu.memory_space<vmem>>) offsets(%dma_start3A_552 : memref<128xi32, #tpu.memory_space<vmem>>) semaphore(%arg13 : memref<!tpu.dma_semaphore, #tpu.memory_space<semaphore_mem>>)
    %get3A_556 = arith.constant 512 : index
    %get3A_557 = tpu.vector_load %arg7[%get3A_556] {strides = array<i32>} : memref<640xi32, #tpu.memory_space<vmem>>, vector<16xi32>,
    %gather3A_558 = tpu.vector_load_idx %arg8[%get3A_557] : memref<100xi32, #tpu.memory_space<vmem>>[vector<16xi32>], vector<16xi32>,
    %gather3A_559 = tpu.vector_load_idx %arg9[%get3A_557] : memref<100xi32, #tpu.memory_space<vmem>>[vector<16xi32>], vector<16xi32>,
    %mul3A_560 = arith.constant 50 : i32
    %mul3A_561 = vector.broadcast %mul3A_560 : i32 to vector<16xi32>
    %mul3A_562 = arith.muli %gather3A_558, %mul3A_561 : vector<16xi32>
    %add3A_563 = arith.addi %mul3A_562, %gather3A_559 : vector<16xi32>
    %mul3A_564 = arith.constant 100 : i32
    %mul3A_565 = arith.muli %add3A, %mul3A_564 : i32
    %add3A_566 = vector.broadcast %mul3A_565 : i32 to vector<16xi32>
    %add3A_567 = arith.addi %add3A_563, %add3A_566 : vector<16xi32>
    %swap3A_568 = arith.constant 4 : i32
    %swap3A_569 = arith.index_cast %swap3A_568 : i32 to index
    %swap3A_570 = arith.constant 0 : index
    %swap3A_571 = tpu.vector_load %arg10[%swap3A_569, %swap3A_570] {strides = array<i32>} : memref<5x128xi32, #tpu.memory_space<vmem>>, vector<16xi32>,
    tpu.vector_store %arg10[%swap3A_569, %swap3A_570], %add3A_567 {strides = array<i32>} : memref<5x128xi32, #tpu.memory_space<vmem>>, vector<16xi32>,
    %get3A_572 = arith.constant 528 : index
    %get3A_573 = tpu.vector_load %arg7[%get3A_572] {strides = array<i32>} : memref<640xi32, #tpu.memory_space<vmem>>, vector<16xi32>,
    %gather3A_574 = tpu.vector_load_idx %arg8[%get3A_573] : memref<100xi32, #tpu.memory_space<vmem>>[vector<16xi32>], vector<16xi32>,
    %gather3A_575 = tpu.vector_load_idx %arg9[%get3A_573] : memref<100xi32, #tpu.memory_space<vmem>>[vector<16xi32>], vector<16xi32>,
    %mul3A_576 = arith.constant 50 : i32
    %mul3A_577 = vector.broadcast %mul3A_576 : i32 to vector<16xi32>
    %mul3A_578 = arith.muli %gather3A_574, %mul3A_577 : vector<16xi32>
    %add3A_579 = arith.addi %mul3A_578, %gather3A_575 : vector<16xi32>
    %mul3A_580 = arith.constant 100 : i32
    %mul3A_581 = arith.muli %add3A, %mul3A_580 : i32
    %add3A_582 = vector.broadcast %mul3A_581 : i32 to vector<16xi32>
    %add3A_583 = arith.addi %add3A_579, %add3A_582 : vector<16xi32>
    %swap3A_584 = arith.constant 4 : i32
    %swap3A_585 = arith.index_cast %swap3A_584 : i32 to index
    %swap3A_586 = arith.constant 16 : index
    %swap3A_587 = tpu.vector_load %arg10[%swap3A_585, %swap3A_586] {strides = array<i32>} : memref<5x128xi32, #tpu.memory_space<vmem>>, vector<16xi32>,
    tpu.vector_store %arg10[%swap3A_585, %swap3A_586], %add3A_583 {strides = array<i32>} : memref<5x128xi32, #tpu.memory_space<vmem>>, vector<16xi32>,
    %get3A_588 = arith.constant 544 : index
    %get3A_589 = tpu.vector_load %arg7[%get3A_588] {strides = array<i32>} : memref<640xi32, #tpu.memory_space<vmem>>, vector<16xi32>,
    %gather3A_590 = tpu.vector_load_idx %arg8[%get3A_589] : memref<100xi32, #tpu.memory_space<vmem>>[vector<16xi32>], vector<16xi32>,
    %gather3A_591 = tpu.vector_load_idx %arg9[%get3A_589] : memref<100xi32, #tpu.memory_space<vmem>>[vector<16xi32>], vector<16xi32>,
    %mul3A_592 = arith.constant 50 : i32
    %mul3A_593 = vector.broadcast %mul3A_592 : i32 to vector<16xi32>
    %mul3A_594 = arith.muli %gather3A_590, %mul3A_593 : vector<16xi32>
    %add3A_595 = arith.addi %mul3A_594, %gather3A_591 : vector<16xi32>
    %mul3A_596 = arith.constant 100 : i32
    %mul3A_597 = arith.muli %add3A, %mul3A_596 : i32
    %add3A_598 = vector.broadcast %mul3A_597 : i32 to vector<16xi32>
    %add3A_599 = arith.addi %add3A_595, %add3A_598 : vector<16xi32>
    %swap3A_600 = arith.constant 4 : i32
    %swap3A_601 = arith.index_cast %swap3A_600 : i32 to index
    %swap3A_602 = arith.constant 32 : index
    %swap3A_603 = tpu.vector_load %arg10[%swap3A_601, %swap3A_602] {strides = array<i32>} : memref<5x128xi32, #tpu.memory_space<vmem>>, vector<16xi32>,
    tpu.vector_store %arg10[%swap3A_601, %swap3A_602], %add3A_599 {strides = array<i32>} : memref<5x128xi32, #tpu.memory_space<vmem>>, vector<16xi32>,
    %get3A_604 = arith.constant 560 : index
    %get3A_605 = tpu.vector_load %arg7[%get3A_604] {strides = array<i32>} : memref<640xi32, #tpu.memory_space<vmem>>, vector<16xi32>,
    %gather3A_606 = tpu.vector_load_idx %arg8[%get3A_605] : memref<100xi32, #tpu.memory_space<vmem>>[vector<16xi32>], vector<16xi32>,
    %gather3A_607 = tpu.vector_load_idx %arg9[%get3A_605] : memref<100xi32, #tpu.memory_space<vmem>>[vector<16xi32>], vector<16xi32>,
    %mul3A_608 = arith.constant 50 : i32
    %mul3A_609 = vector.broadcast %mul3A_608 : i32 to vector<16xi32>
    %mul3A_610 = arith.muli %gather3A_606, %mul3A_609 : vector<16xi32>
    %add3A_611 = arith.addi %mul3A_610, %gather3A_607 : vector<16xi32>
    %mul3A_612 = arith.constant 100 : i32
    %mul3A_613 = arith.muli %add3A, %mul3A_612 : i32
    %add3A_614 = vector.broadcast %mul3A_613 : i32 to vector<16xi32>
    %add3A_615 = arith.addi %add3A_611, %add3A_614 : vector<16xi32>
    %swap3A_616 = arith.constant 4 : i32
    %swap3A_617 = arith.index_cast %swap3A_616 : i32 to index
    %swap3A_618 = arith.constant 48 : index
    %swap3A_619 = tpu.vector_load %arg10[%swap3A_617, %swap3A_618] {strides = array<i32>} : memref<5x128xi32, #tpu.memory_space<vmem>>, vector<16xi32>,
    tpu.vector_store %arg10[%swap3A_617, %swap3A_618], %add3A_615 {strides = array<i32>} : memref<5x128xi32, #tpu.memory_space<vmem>>, vector<16xi32>,
    %get3A_620 = arith.constant 576 : index
    %get3A_621 = tpu.vector_load %arg7[%get3A_620] {strides = array<i32>} : memref<640xi32, #tpu.memory_space<vmem>>, vector<16xi32>,
    %gather3A_622 = tpu.vector_load_idx %arg8[%get3A_621] : memref<100xi32, #tpu.memory_space<vmem>>[vector<16xi32>], vector<16xi32>,
    %gather3A_623 = tpu.vector_load_idx %arg9[%get3A_621] : memref<100xi32, #tpu.memory_space<vmem>>[vector<16xi32>], vector<16xi32>,
    %mul3A_624 = arith.constant 50 : i32
    %mul3A_625 = vector.broadcast %mul3A_624 : i32 to vector<16xi32>
    %mul3A_626 = arith.muli %gather3A_622, %mul3A_625 : vector<16xi32>
    %add3A_627 = arith.addi %mul3A_626, %gather3A_623 : vector<16xi32>
    %mul3A_628 = arith.constant 100 : i32
    %mul3A_629 = arith.muli %add3A, %mul3A_628 : i32
    %add3A_630 = vector.broadcast %mul3A_629 : i32 to vector<16xi32>
    %add3A_631 = arith.addi %add3A_627, %add3A_630 : vector<16xi32>
    %swap3A_632 = arith.constant 4 : i32
    %swap3A_633 = arith.index_cast %swap3A_632 : i32 to index
    %swap3A_634 = arith.constant 64 : index
    %swap3A_635 = tpu.vector_load %arg10[%swap3A_633, %swap3A_634] {strides = array<i32>} : memref<5x128xi32, #tpu.memory_space<vmem>>, vector<16xi32>,
    tpu.vector_store %arg10[%swap3A_633, %swap3A_634], %add3A_631 {strides = array<i32>} : memref<5x128xi32, #tpu.memory_space<vmem>>, vector<16xi32>,
    %get3A_636 = arith.constant 592 : index
    %get3A_637 = tpu.vector_load %arg7[%get3A_636] {strides = array<i32>} : memref<640xi32, #tpu.memory_space<vmem>>, vector<16xi32>,
    %gather3A_638 = tpu.vector_load_idx %arg8[%get3A_637] : memref<100xi32, #tpu.memory_space<vmem>>[vector<16xi32>], vector<16xi32>,
    %gather3A_639 = tpu.vector_load_idx %arg9[%get3A_637] : memref<100xi32, #tpu.memory_space<vmem>>[vector<16xi32>], vector<16xi32>,
    %mul3A_640 = arith.constant 50 : i32
    %mul3A_641 = vector.broadcast %mul3A_640 : i32 to vector<16xi32>
    %mul3A_642 = arith.muli %gather3A_638, %mul3A_641 : vector<16xi32>
    %add3A_643 = arith.addi %mul3A_642, %gather3A_639 : vector<16xi32>
    %mul3A_644 = arith.constant 100 : i32
    %mul3A_645 = arith.muli %add3A, %mul3A_644 : i32
    %add3A_646 = vector.broadcast %mul3A_645 : i32 to vector<16xi32>
    %add3A_647 = arith.addi %add3A_643, %add3A_646 : vector<16xi32>
    %swap3A_648 = arith.constant 4 : i32
    %swap3A_649 = arith.index_cast %swap3A_648 : i32 to index
    %swap3A_650 = arith.constant 80 : index
    %swap3A_651 = tpu.vector_load %arg10[%swap3A_649, %swap3A_650] {strides = array<i32>} : memref<5x128xi32, #tpu.memory_space<vmem>>, vector<16xi32>,
    tpu.vector_store %arg10[%swap3A_649, %swap3A_650], %add3A_647 {strides = array<i32>} : memref<5x128xi32, #tpu.memory_space<vmem>>, vector<16xi32>,
    %get3A_652 = arith.constant 608 : index
    %get3A_653 = tpu.vector_load %arg7[%get3A_652] {strides = array<i32>} : memref<640xi32, #tpu.memory_space<vmem>>, vector<16xi32>,
    %gather3A_654 = tpu.vector_load_idx %arg8[%get3A_653] : memref<100xi32, #tpu.memory_space<vmem>>[vector<16xi32>], vector<16xi32>,
    %gather3A_655 = tpu.vector_load_idx %arg9[%get3A_653] : memref<100xi32, #tpu.memory_space<vmem>>[vector<16xi32>], vector<16xi32>,
    %mul3A_656 = arith.constant 50 : i32
    %mul3A_657 = vector.broadcast %mul3A_656 : i32 to vector<16xi32>
    %mul3A_658 = arith.muli %gather3A_654, %mul3A_657 : vector<16xi32>
    %add3A_659 = arith.addi %mul3A_658, %gather3A_655 : vector<16xi32>
    %mul3A_660 = arith.constant 100 : i32
    %mul3A_661 = arith.muli %add3A, %mul3A_660 : i32
    %add3A_662 = vector.broadcast %mul3A_661 : i32 to vector<16xi32>
    %add3A_663 = arith.addi %add3A_659, %add3A_662 : vector<16xi32>
    %swap3A_664 = arith.constant 4 : i32
    %swap3A_665 = arith.index_cast %swap3A_664 : i32 to index
    %swap3A_666 = arith.constant 96 : index
    %swap3A_667 = tpu.vector_load %arg10[%swap3A_665, %swap3A_666] {strides = array<i32>} : memref<5x128xi32, #tpu.memory_space<vmem>>, vector<16xi32>,
    tpu.vector_store %arg10[%swap3A_665, %swap3A_666], %add3A_663 {strides = array<i32>} : memref<5x128xi32, #tpu.memory_space<vmem>>, vector<16xi32>,
    %get3A_668 = arith.constant 624 : index
    %get3A_669 = tpu.vector_load %arg7[%get3A_668] {strides = array<i32>} : memref<640xi32, #tpu.memory_space<vmem>>, vector<16xi32>,
    %gather3A_670 = tpu.vector_load_idx %arg8[%get3A_669] : memref<100xi32, #tpu.memory_space<vmem>>[vector<16xi32>], vector<16xi32>,
    %gather3A_671 = tpu.vector_load_idx %arg9[%get3A_669] : memref<100xi32, #tpu.memory_space<vmem>>[vector<16xi32>], vector<16xi32>,
    %mul3A_672 = arith.constant 50 : i32
    %mul3A_673 = vector.broadcast %mul3A_672 : i32 to vector<16xi32>
    %mul3A_674 = arith.muli %gather3A_670, %mul3A_673 : vector<16xi32>
    %add3A_675 = arith.addi %mul3A_674, %gather3A_671 : vector<16xi32>
    %mul3A_676 = arith.constant 100 : i32
    %mul3A_677 = arith.muli %add3A, %mul3A_676 : i32
    %add3A_678 = vector.broadcast %mul3A_677 : i32 to vector<16xi32>
    %add3A_679 = arith.addi %add3A_675, %add3A_678 : vector<16xi32>
    %swap3A_680 = arith.constant 4 : i32
    %swap3A_681 = arith.index_cast %swap3A_680 : i32 to index
    %swap3A_682 = arith.constant 112 : index
    %swap3A_683 = tpu.vector_load %arg10[%swap3A_681, %swap3A_682] {strides = array<i32>} : memref<5x128xi32, #tpu.memory_space<vmem>>, vector<16xi32>,
    tpu.vector_store %arg10[%swap3A_681, %swap3A_682], %add3A_679 {strides = array<i32>} : memref<5x128xi32, #tpu.memory_space<vmem>>, vector<16xi32>,
    %dma_start3A_684 = arith.constant 4 : i32
    %dma_start3A_685 = arith.constant 512 : i32
    %dma_start3A_686 = arith.constant 0 : i32
    %dma_start3A_687 = tpu.memref_slice %arg11[%dma_start3A_685, %dma_start3A_686] : memref<640x64xf32, #tpu.memory_space<vmem>> -> memref<128x64xf32, #tpu.memory_space<vmem>>
    %dma_start3A_688 = arith.constant 0 : i32
    %dma_start3A_689 = tpu.memref_slice %arg10[%dma_start3A_684, %dma_start3A_688] : memref<5x128xi32, #tpu.memory_space<vmem>> -> memref<1x128xi32, #tpu.memory_space<vmem>>
    %dma_start3A_690 = tpu.memref_squeeze %dma_start3A_689 : memref<1x128xi32, #tpu.memory_space<vmem>> -> memref<128xi32, #tpu.memory_space<vmem>>
    %dma_start3A_691 = arith.constant 0 : i32
    %dma_start3A_692 = arith.constant 0 : i32
    %dma_start3A_693 = tpu.memref_slice %arg5[%dma_start3A_691, %dma_start3A_692] : memref<3200x64xf32, #tpu.memory_space<hbm>> -> memref<3200x64xf32, #tpu.memory_space<hbm>>
    tpu.enqueue_indirect_dma source(%dma_start3A_693 : memref<3200x64xf32, #tpu.memory_space<hbm>>) target(%dma_start3A_687 : memref<128x64xf32, #tpu.memory_space<vmem>>) offsets(%dma_start3A_690 : memref<128xi32, #tpu.memory_space<vmem>>) semaphore(%arg13 : memref<!tpu.dma_semaphore, #tpu.memory_space<semaphore_mem>>)
    %dma_wait3A_694 = arith.constant 0 : i32
    "tpu.trace_stop"() : () -> ()
    "tpu.trace_start"() <{level = 10 : i32, message = "phase_gwait"}> : () -> ()
    %dma_wait3A_695 = arith.constant 0 : i32
    %dma_wait3A_696 = arith.constant 0 : i32
    %dma_wait3A_697 = tpu.memref_slice %arg11[%dma_wait3A_695, %dma_wait3A_696] : memref<640x64xf32, #tpu.memory_space<vmem>> -> memref<128x64xf32, #tpu.memory_space<vmem>>
    %dma_wait3A_698 = arith.constant 0 : i32
    %dma_wait3A_699 = tpu.memref_slice %arg10[%dma_wait3A_694, %dma_wait3A_698] : memref<5x128xi32, #tpu.memory_space<vmem>> -> memref<1x128xi32, #tpu.memory_space<vmem>>
    %dma_wait3A_700 = tpu.memref_squeeze %dma_wait3A_699 : memref<1x128xi32, #tpu.memory_space<vmem>> -> memref<128xi32, #tpu.memory_space<vmem>>
    %dma_wait3A_701 = arith.constant 0 : i32
    %dma_wait3A_702 = arith.constant 0 : i32
    %dma_wait3A_703 = tpu.memref_slice %arg5[%dma_wait3A_701, %dma_wait3A_702] : memref<3200x64xf32, #tpu.memory_space<hbm>> -> memref<3200x64xf32, #tpu.memory_space<hbm>>
    tpu.wait_indirect_dma semaphore(%arg13 : memref<!tpu.dma_semaphore, #tpu.memory_space<semaphore_mem>>) src(%dma_wait3A_703 : memref<3200x64xf32, #tpu.memory_space<hbm>>) dst(%dma_wait3A_697 : memref<128x64xf32, #tpu.memory_space<vmem>>)
    %dma_wait3A_704 = arith.constant 1 : i32
    %dma_wait3A_705 = arith.constant 128 : i32
    %dma_wait3A_706 = arith.constant 0 : i32
    %dma_wait3A_707 = tpu.memref_slice %arg11[%dma_wait3A_705, %dma_wait3A_706] : memref<640x64xf32, #tpu.memory_space<vmem>> -> memref<128x64xf32, #tpu.memory_space<vmem>>
    %dma_wait3A_708 = arith.constant 0 : i32
    %dma_wait3A_709 = tpu.memref_slice %arg10[%dma_wait3A_704, %dma_wait3A_708] : memref<5x128xi32, #tpu.memory_space<vmem>> -> memref<1x128xi32, #tpu.memory_space<vmem>>
    %dma_wait3A_710 = tpu.memref_squeeze %dma_wait3A_709 : memref<1x128xi32, #tpu.memory_space<vmem>> -> memref<128xi32, #tpu.memory_space<vmem>>
    %dma_wait3A_711 = arith.constant 0 : i32
    %dma_wait3A_712 = arith.constant 0 : i32
    %dma_wait3A_713 = tpu.memref_slice %arg5[%dma_wait3A_711, %dma_wait3A_712] : memref<3200x64xf32, #tpu.memory_space<hbm>> -> memref<3200x64xf32, #tpu.memory_space<hbm>>
    tpu.wait_indirect_dma semaphore(%arg13 : memref<!tpu.dma_semaphore, #tpu.memory_space<semaphore_mem>>) src(%dma_wait3A_713 : memref<3200x64xf32, #tpu.memory_space<hbm>>) dst(%dma_wait3A_707 : memref<128x64xf32, #tpu.memory_space<vmem>>)
    %dma_wait3A_714 = arith.constant 2 : i32
    %dma_wait3A_715 = arith.constant 256 : i32
    %dma_wait3A_716 = arith.constant 0 : i32
    %dma_wait3A_717 = tpu.memref_slice %arg11[%dma_wait3A_715, %dma_wait3A_716] : memref<640x64xf32, #tpu.memory_space<vmem>> -> memref<128x64xf32, #tpu.memory_space<vmem>>
    %dma_wait3A_718 = arith.constant 0 : i32
    %dma_wait3A_719 = tpu.memref_slice %arg10[%dma_wait3A_714, %dma_wait3A_718] : memref<5x128xi32, #tpu.memory_space<vmem>> -> memref<1x128xi32, #tpu.memory_space<vmem>>
    %dma_wait3A_720 = tpu.memref_squeeze %dma_wait3A_719 : memref<1x128xi32, #tpu.memory_space<vmem>> -> memref<128xi32, #tpu.memory_space<vmem>>
    %dma_wait3A_721 = arith.constant 0 : i32
    %dma_wait3A_722 = arith.constant 0 : i32
    %dma_wait3A_723 = tpu.memref_slice %arg5[%dma_wait3A_721, %dma_wait3A_722] : memref<3200x64xf32, #tpu.memory_space<hbm>> -> memref<3200x64xf32, #tpu.memory_space<hbm>>
    tpu.wait_indirect_dma semaphore(%arg13 : memref<!tpu.dma_semaphore, #tpu.memory_space<semaphore_mem>>) src(%dma_wait3A_723 : memref<3200x64xf32, #tpu.memory_space<hbm>>) dst(%dma_wait3A_717 : memref<128x64xf32, #tpu.memory_space<vmem>>)
    %dma_wait3A_724 = arith.constant 3 : i32
    %dma_wait3A_725 = arith.constant 384 : i32
    %dma_wait3A_726 = arith.constant 0 : i32
    %dma_wait3A_727 = tpu.memref_slice %arg11[%dma_wait3A_725, %dma_wait3A_726] : memref<640x64xf32, #tpu.memory_space<vmem>> -> memref<128x64xf32, #tpu.memory_space<vmem>>
    %dma_wait3A_728 = arith.constant 0 : i32
    %dma_wait3A_729 = tpu.memref_slice %arg10[%dma_wait3A_724, %dma_wait3A_728] : memref<5x128xi32, #tpu.memory_space<vmem>> -> memref<1x128xi32, #tpu.memory_space<vmem>>
    %dma_wait3A_730 = tpu.memref_squeeze %dma_wait3A_729 : memref<1x128xi32, #tpu.memory_space<vmem>> -> memref<128xi32, #tpu.memory_space<vmem>>
    %dma_wait3A_731 = arith.constant 0 : i32
    %dma_wait3A_732 = arith.constant 0 : i32
    %dma_wait3A_733 = tpu.memref_slice %arg5[%dma_wait3A_731, %dma_wait3A_732] : memref<3200x64xf32, #tpu.memory_space<hbm>> -> memref<3200x64xf32, #tpu.memory_space<hbm>>
    tpu.wait_indirect_dma semaphore(%arg13 : memref<!tpu.dma_semaphore, #tpu.memory_space<semaphore_mem>>) src(%dma_wait3A_733 : memref<3200x64xf32, #tpu.memory_space<hbm>>) dst(%dma_wait3A_727 : memref<128x64xf32, #tpu.memory_space<vmem>>)
    %dma_wait3A_734 = arith.constant 4 : i32
    %dma_wait3A_735 = arith.constant 512 : i32
    %dma_wait3A_736 = arith.constant 0 : i32
    %dma_wait3A_737 = tpu.memref_slice %arg11[%dma_wait3A_735, %dma_wait3A_736] : memref<640x64xf32, #tpu.memory_space<vmem>> -> memref<128x64xf32, #tpu.memory_space<vmem>>
    %dma_wait3A_738 = arith.constant 0 : i32
    %dma_wait3A_739 = tpu.memref_slice %arg10[%dma_wait3A_734, %dma_wait3A_738] : memref<5x128xi32, #tpu.memory_space<vmem>> -> memref<1x128xi32, #tpu.memory_space<vmem>>
    %dma_wait3A_740 = tpu.memref_squeeze %dma_wait3A_739 : memref<1x128xi32, #tpu.memory_space<vmem>> -> memref<128xi32, #tpu.memory_space<vmem>>
    %dma_wait3A_741 = arith.constant 0 : i32
    %dma_wait3A_742 = arith.constant 0 : i32
    %dma_wait3A_743 = tpu.memref_slice %arg5[%dma_wait3A_741, %dma_wait3A_742] : memref<3200x64xf32, #tpu.memory_space<hbm>> -> memref<3200x64xf32, #tpu.memory_space<hbm>>
    tpu.wait_indirect_dma semaphore(%arg13 : memref<!tpu.dma_semaphore, #tpu.memory_space<semaphore_mem>>) src(%dma_wait3A_743 : memref<3200x64xf32, #tpu.memory_space<hbm>>) dst(%dma_wait3A_737 : memref<128x64xf32, #tpu.memory_space<vmem>>)
    "tpu.trace_stop"() : () -> ()
    "tpu.trace_start"() <{level = 10 : i32, message = "phase_out"}> : () -> ()
    %add3A_744 = arith.constant 0 : i32
    %add3A_745 = arith.addi %mul3A_4, %add3A_744 : i32
    %dma_start3A_746 = arith.constant 0 : i32
    %dma_start3A_747 = arith.constant 0 : i32
    %dma_start3A_748 = tpu.memref_slice %arg11[%dma_start3A_746, %dma_start3A_747] : memref<640x64xf32, #tpu.memory_space<vmem>> -> memref<20x64xf32, #tpu.memory_space<vmem>>
    %dma_start3A_749 = arith.constant 0 : i32
    %dma_start3A_750 = tpu.memref_slice %arg6[%add3A_745, %dma_start3A_749] : memref<24576x128xf32, #tpu.memory_space<hbm>> -> memref<20x64xf32, #tpu.memory_space<hbm>>
    %dma_start3A_751 = arith.constant 0 : i32
    %dma_start3A_752 = tpu.memref_slice %arg6[%add3A_745, %dma_start3A_751] : memref<24576x128xf32, #tpu.memory_space<hbm>> -> memref<20x64xf32, #tpu.memory_space<hbm>>
    %dma_start3A_753 = arith.constant 0 : i32
    %dma_start3A_754 = arith.constant 0 : i32
    %dma_start3A_755 = tpu.memref_slice %arg11[%dma_start3A_753, %dma_start3A_754] : memref<640x64xf32, #tpu.memory_space<vmem>> -> memref<20x64xf32, #tpu.memory_space<vmem>>
    tpu.enqueue_dma source(%dma_start3A_755 : memref<20x64xf32, #tpu.memory_space<vmem>>) target(%dma_start3A_752 : memref<20x64xf32, #tpu.memory_space<hbm>>) target_semaphore(%arg14 : memref<!tpu.dma_semaphore, #tpu.memory_space<semaphore_mem>>)
    %add3A_756 = arith.constant 24 : i32
    %add3A_757 = arith.addi %mul3A_4, %add3A_756 : i32
    %dma_start3A_758 = arith.constant 20 : i32
    %dma_start3A_759 = arith.constant 0 : i32
    %dma_start3A_760 = tpu.memref_slice %arg11[%dma_start3A_758, %dma_start3A_759] : memref<640x64xf32, #tpu.memory_space<vmem>> -> memref<20x64xf32, #tpu.memory_space<vmem>>
    %dma_start3A_761 = arith.constant 0 : i32
    %dma_start3A_762 = tpu.memref_slice %arg6[%add3A_757, %dma_start3A_761] : memref<24576x128xf32, #tpu.memory_space<hbm>> -> memref<20x64xf32, #tpu.memory_space<hbm>>
    %dma_start3A_763 = arith.constant 0 : i32
    %dma_start3A_764 = tpu.memref_slice %arg6[%add3A_757, %dma_start3A_763] : memref<24576x128xf32, #tpu.memory_space<hbm>> -> memref<20x64xf32, #tpu.memory_space<hbm>>
    %dma_start3A_765 = arith.constant 20 : i32
    %dma_start3A_766 = arith.constant 0 : i32
    %dma_start3A_767 = tpu.memref_slice %arg11[%dma_start3A_765, %dma_start3A_766] : memref<640x64xf32, #tpu.memory_space<vmem>> -> memref<20x64xf32, #tpu.memory_space<vmem>>
    tpu.enqueue_dma source(%dma_start3A_767 : memref<20x64xf32, #tpu.memory_space<vmem>>) target(%dma_start3A_764 : memref<20x64xf32, #tpu.memory_space<hbm>>) target_semaphore(%arg14 : memref<!tpu.dma_semaphore, #tpu.memory_space<semaphore_mem>>)
    %add3A_768 = arith.constant 48 : i32
    %add3A_769 = arith.addi %mul3A_4, %add3A_768 : i32
    %dma_start3A_770 = arith.constant 40 : i32
    %dma_start3A_771 = arith.constant 0 : i32
    %dma_start3A_772 = tpu.memref_slice %arg11[%dma_start3A_770, %dma_start3A_771] : memref<640x64xf32, #tpu.memory_space<vmem>> -> memref<20x64xf32, #tpu.memory_space<vmem>>
    %dma_start3A_773 = arith.constant 0 : i32
    %dma_start3A_774 = tpu.memref_slice %arg6[%add3A_769, %dma_start3A_773] : memref<24576x128xf32, #tpu.memory_space<hbm>> -> memref<20x64xf32, #tpu.memory_space<hbm>>
    %dma_start3A_775 = arith.constant 0 : i32
    %dma_start3A_776 = tpu.memref_slice %arg6[%add3A_769, %dma_start3A_775] : memref<24576x128xf32, #tpu.memory_space<hbm>> -> memref<20x64xf32, #tpu.memory_space<hbm>>
    %dma_start3A_777 = arith.constant 40 : i32
    %dma_start3A_778 = arith.constant 0 : i32
    %dma_start3A_779 = tpu.memref_slice %arg11[%dma_start3A_777, %dma_start3A_778] : memref<640x64xf32, #tpu.memory_space<vmem>> -> memref<20x64xf32, #tpu.memory_space<vmem>>
    tpu.enqueue_dma source(%dma_start3A_779 : memref<20x64xf32, #tpu.memory_space<vmem>>) target(%dma_start3A_776 : memref<20x64xf32, #tpu.memory_space<hbm>>) target_semaphore(%arg14 : memref<!tpu.dma_semaphore, #tpu.memory_space<semaphore_mem>>)
    %add3A_780 = arith.constant 72 : i32
    %add3A_781 = arith.addi %mul3A_4, %add3A_780 : i32
    %dma_start3A_782 = arith.constant 60 : i32
    %dma_start3A_783 = arith.constant 0 : i32
    %dma_start3A_784 = tpu.memref_slice %arg11[%dma_start3A_782, %dma_start3A_783] : memref<640x64xf32, #tpu.memory_space<vmem>> -> memref<20x64xf32, #tpu.memory_space<vmem>>
    %dma_start3A_785 = arith.constant 0 : i32
    %dma_start3A_786 = tpu.memref_slice %arg6[%add3A_781, %dma_start3A_785] : memref<24576x128xf32, #tpu.memory_space<hbm>> -> memref<20x64xf32, #tpu.memory_space<hbm>>
    %dma_start3A_787 = arith.constant 0 : i32
    %dma_start3A_788 = tpu.memref_slice %arg6[%add3A_781, %dma_start3A_787] : memref<24576x128xf32, #tpu.memory_space<hbm>> -> memref<20x64xf32, #tpu.memory_space<hbm>>
    %dma_start3A_789 = arith.constant 60 : i32
    %dma_start3A_790 = arith.constant 0 : i32
    %dma_start3A_791 = tpu.memref_slice %arg11[%dma_start3A_789, %dma_start3A_790] : memref<640x64xf32, #tpu.memory_space<vmem>> -> memref<20x64xf32, #tpu.memory_space<vmem>>
    tpu.enqueue_dma source(%dma_start3A_791 : memref<20x64xf32, #tpu.memory_space<vmem>>) target(%dma_start3A_788 : memref<20x64xf32, #tpu.memory_space<hbm>>) target_semaphore(%arg14 : memref<!tpu.dma_semaphore, #tpu.memory_space<semaphore_mem>>)
    %add3A_792 = arith.constant 96 : i32
    %add3A_793 = arith.addi %mul3A_4, %add3A_792 : i32
    %dma_start3A_794 = arith.constant 80 : i32
    %dma_start3A_795 = arith.constant 0 : i32
    %dma_start3A_796 = tpu.memref_slice %arg11[%dma_start3A_794, %dma_start3A_795] : memref<640x64xf32, #tpu.memory_space<vmem>> -> memref<20x64xf32, #tpu.memory_space<vmem>>
    %dma_start3A_797 = arith.constant 0 : i32
    %dma_start3A_798 = tpu.memref_slice %arg6[%add3A_793, %dma_start3A_797] : memref<24576x128xf32, #tpu.memory_space<hbm>> -> memref<20x64xf32, #tpu.memory_space<hbm>>
    %dma_start3A_799 = arith.constant 0 : i32
    %dma_start3A_800 = tpu.memref_slice %arg6[%add3A_793, %dma_start3A_799] : memref<24576x128xf32, #tpu.memory_space<hbm>> -> memref<20x64xf32, #tpu.memory_space<hbm>>
    %dma_start3A_801 = arith.constant 80 : i32
    %dma_start3A_802 = arith.constant 0 : i32
    %dma_start3A_803 = tpu.memref_slice %arg11[%dma_start3A_801, %dma_start3A_802] : memref<640x64xf32, #tpu.memory_space<vmem>> -> memref<20x64xf32, #tpu.memory_space<vmem>>
    tpu.enqueue_dma source(%dma_start3A_803 : memref<20x64xf32, #tpu.memory_space<vmem>>) target(%dma_start3A_800 : memref<20x64xf32, #tpu.memory_space<hbm>>) target_semaphore(%arg14 : memref<!tpu.dma_semaphore, #tpu.memory_space<semaphore_mem>>)
    %add3A_804 = arith.constant 120 : i32
    %add3A_805 = arith.addi %mul3A_4, %add3A_804 : i32
    %dma_start3A_806 = arith.constant 100 : i32
    %dma_start3A_807 = arith.constant 0 : i32
    %dma_start3A_808 = tpu.memref_slice %arg11[%dma_start3A_806, %dma_start3A_807] : memref<640x64xf32, #tpu.memory_space<vmem>> -> memref<20x64xf32, #tpu.memory_space<vmem>>
    %dma_start3A_809 = arith.constant 0 : i32
    %dma_start3A_810 = tpu.memref_slice %arg6[%add3A_805, %dma_start3A_809] : memref<24576x128xf32, #tpu.memory_space<hbm>> -> memref<20x64xf32, #tpu.memory_space<hbm>>
    %dma_start3A_811 = arith.constant 0 : i32
    %dma_start3A_812 = tpu.memref_slice %arg6[%add3A_805, %dma_start3A_811] : memref<24576x128xf32, #tpu.memory_space<hbm>> -> memref<20x64xf32, #tpu.memory_space<hbm>>
    %dma_start3A_813 = arith.constant 100 : i32
    %dma_start3A_814 = arith.constant 0 : i32
    %dma_start3A_815 = tpu.memref_slice %arg11[%dma_start3A_813, %dma_start3A_814] : memref<640x64xf32, #tpu.memory_space<vmem>> -> memref<20x64xf32, #tpu.memory_space<vmem>>
    tpu.enqueue_dma source(%dma_start3A_815 : memref<20x64xf32, #tpu.memory_space<vmem>>) target(%dma_start3A_812 : memref<20x64xf32, #tpu.memory_space<hbm>>) target_semaphore(%arg14 : memref<!tpu.dma_semaphore, #tpu.memory_space<semaphore_mem>>)
    %add3A_816 = arith.constant 144 : i32
    %add3A_817 = arith.addi %mul3A_4, %add3A_816 : i32
    %dma_start3A_818 = arith.constant 120 : i32
    %dma_start3A_819 = arith.constant 0 : i32
    %dma_start3A_820 = tpu.memref_slice %arg11[%dma_start3A_818, %dma_start3A_819] : memref<640x64xf32, #tpu.memory_space<vmem>> -> memref<20x64xf32, #tpu.memory_space<vmem>>
    %dma_start3A_821 = arith.constant 0 : i32
    %dma_start3A_822 = tpu.memref_slice %arg6[%add3A_817, %dma_start3A_821] : memref<24576x128xf32, #tpu.memory_space<hbm>> -> memref<20x64xf32, #tpu.memory_space<hbm>>
    %dma_start3A_823 = arith.constant 0 : i32
    %dma_start3A_824 = tpu.memref_slice %arg6[%add3A_817, %dma_start3A_823] : memref<24576x128xf32, #tpu.memory_space<hbm>> -> memref<20x64xf32, #tpu.memory_space<hbm>>
    %dma_start3A_825 = arith.constant 120 : i32
    %dma_start3A_826 = arith.constant 0 : i32
    %dma_start3A_827 = tpu.memref_slice %arg11[%dma_start3A_825, %dma_start3A_826] : memref<640x64xf32, #tpu.memory_space<vmem>> -> memref<20x64xf32, #tpu.memory_space<vmem>>
    tpu.enqueue_dma source(%dma_start3A_827 : memref<20x64xf32, #tpu.memory_space<vmem>>) target(%dma_start3A_824 : memref<20x64xf32, #tpu.memory_space<hbm>>) target_semaphore(%arg14 : memref<!tpu.dma_semaphore, #tpu.memory_space<semaphore_mem>>)
    %add3A_828 = arith.constant 168 : i32
    %add3A_829 = arith.addi %mul3A_4, %add3A_828 : i32
    %dma_start3A_830 = arith.constant 140 : i32
    %dma_start3A_831 = arith.constant 0 : i32
    %dma_start3A_832 = tpu.memref_slice %arg11[%dma_start3A_830, %dma_start3A_831] : memref<640x64xf32, #tpu.memory_space<vmem>> -> memref<20x64xf32, #tpu.memory_space<vmem>>
    %dma_start3A_833 = arith.constant 0 : i32
    %dma_start3A_834 = tpu.memref_slice %arg6[%add3A_829, %dma_start3A_833] : memref<24576x128xf32, #tpu.memory_space<hbm>> -> memref<20x64xf32, #tpu.memory_space<hbm>>
    %dma_start3A_835 = arith.constant 0 : i32
    %dma_start3A_836 = tpu.memref_slice %arg6[%add3A_829, %dma_start3A_835] : memref<24576x128xf32, #tpu.memory_space<hbm>> -> memref<20x64xf32, #tpu.memory_space<hbm>>
    %dma_start3A_837 = arith.constant 140 : i32
    %dma_start3A_838 = arith.constant 0 : i32
    %dma_start3A_839 = tpu.memref_slice %arg11[%dma_start3A_837, %dma_start3A_838] : memref<640x64xf32, #tpu.memory_space<vmem>> -> memref<20x64xf32, #tpu.memory_space<vmem>>
    tpu.enqueue_dma source(%dma_start3A_839 : memref<20x64xf32, #tpu.memory_space<vmem>>) target(%dma_start3A_836 : memref<20x64xf32, #tpu.memory_space<hbm>>) target_semaphore(%arg14 : memref<!tpu.dma_semaphore, #tpu.memory_space<semaphore_mem>>)
    %add3A_840 = arith.constant 192 : i32
    %add3A_841 = arith.addi %mul3A_4, %add3A_840 : i32
    %dma_start3A_842 = arith.constant 160 : i32
    %dma_start3A_843 = arith.constant 0 : i32
    %dma_start3A_844 = tpu.memref_slice %arg11[%dma_start3A_842, %dma_start3A_843] : memref<640x64xf32, #tpu.memory_space<vmem>> -> memref<20x64xf32, #tpu.memory_space<vmem>>
    %dma_start3A_845 = arith.constant 0 : i32
    %dma_start3A_846 = tpu.memref_slice %arg6[%add3A_841, %dma_start3A_845] : memref<24576x128xf32, #tpu.memory_space<hbm>> -> memref<20x64xf32, #tpu.memory_space<hbm>>
    %dma_start3A_847 = arith.constant 0 : i32
    %dma_start3A_848 = tpu.memref_slice %arg6[%add3A_841, %dma_start3A_847] : memref<24576x128xf32, #tpu.memory_space<hbm>> -> memref<20x64xf32, #tpu.memory_space<hbm>>
    %dma_start3A_849 = arith.constant 160 : i32
    %dma_start3A_850 = arith.constant 0 : i32
    %dma_start3A_851 = tpu.memref_slice %arg11[%dma_start3A_849, %dma_start3A_850] : memref<640x64xf32, #tpu.memory_space<vmem>> -> memref<20x64xf32, #tpu.memory_space<vmem>>
    tpu.enqueue_dma source(%dma_start3A_851 : memref<20x64xf32, #tpu.memory_space<vmem>>) target(%dma_start3A_848 : memref<20x64xf32, #tpu.memory_space<hbm>>) target_semaphore(%arg14 : memref<!tpu.dma_semaphore, #tpu.memory_space<semaphore_mem>>)
    %add3A_852 = arith.constant 216 : i32
    %add3A_853 = arith.addi %mul3A_4, %add3A_852 : i32
    %dma_start3A_854 = arith.constant 180 : i32
    %dma_start3A_855 = arith.constant 0 : i32
    %dma_start3A_856 = tpu.memref_slice %arg11[%dma_start3A_854, %dma_start3A_855] : memref<640x64xf32, #tpu.memory_space<vmem>> -> memref<20x64xf32, #tpu.memory_space<vmem>>
    %dma_start3A_857 = arith.constant 0 : i32
    %dma_start3A_858 = tpu.memref_slice %arg6[%add3A_853, %dma_start3A_857] : memref<24576x128xf32, #tpu.memory_space<hbm>> -> memref<20x64xf32, #tpu.memory_space<hbm>>
    %dma_start3A_859 = arith.constant 0 : i32
    %dma_start3A_860 = tpu.memref_slice %arg6[%add3A_853, %dma_start3A_859] : memref<24576x128xf32, #tpu.memory_space<hbm>> -> memref<20x64xf32, #tpu.memory_space<hbm>>
    %dma_start3A_861 = arith.constant 180 : i32
    %dma_start3A_862 = arith.constant 0 : i32
    %dma_start3A_863 = tpu.memref_slice %arg11[%dma_start3A_861, %dma_start3A_862] : memref<640x64xf32, #tpu.memory_space<vmem>> -> memref<20x64xf32, #tpu.memory_space<vmem>>
    tpu.enqueue_dma source(%dma_start3A_863 : memref<20x64xf32, #tpu.memory_space<vmem>>) target(%dma_start3A_860 : memref<20x64xf32, #tpu.memory_space<hbm>>) target_semaphore(%arg14 : memref<!tpu.dma_semaphore, #tpu.memory_space<semaphore_mem>>)
    %add3A_864 = arith.constant 240 : i32
    %add3A_865 = arith.addi %mul3A_4, %add3A_864 : i32
    %dma_start3A_866 = arith.constant 200 : i32
    %dma_start3A_867 = arith.constant 0 : i32
    %dma_start3A_868 = tpu.memref_slice %arg11[%dma_start3A_866, %dma_start3A_867] : memref<640x64xf32, #tpu.memory_space<vmem>> -> memref<20x64xf32, #tpu.memory_space<vmem>>
    %dma_start3A_869 = arith.constant 0 : i32
    %dma_start3A_870 = tpu.memref_slice %arg6[%add3A_865, %dma_start3A_869] : memref<24576x128xf32, #tpu.memory_space<hbm>> -> memref<20x64xf32, #tpu.memory_space<hbm>>
    %dma_start3A_871 = arith.constant 0 : i32
    %dma_start3A_872 = tpu.memref_slice %arg6[%add3A_865, %dma_start3A_871] : memref<24576x128xf32, #tpu.memory_space<hbm>> -> memref<20x64xf32, #tpu.memory_space<hbm>>
    %dma_start3A_873 = arith.constant 200 : i32
    %dma_start3A_874 = arith.constant 0 : i32
    %dma_start3A_875 = tpu.memref_slice %arg11[%dma_start3A_873, %dma_start3A_874] : memref<640x64xf32, #tpu.memory_space<vmem>> -> memref<20x64xf32, #tpu.memory_space<vmem>>
    tpu.enqueue_dma source(%dma_start3A_875 : memref<20x64xf32, #tpu.memory_space<vmem>>) target(%dma_start3A_872 : memref<20x64xf32, #tpu.memory_space<hbm>>) target_semaphore(%arg14 : memref<!tpu.dma_semaphore, #tpu.memory_space<semaphore_mem>>)
    %add3A_876 = arith.constant 264 : i32
    %add3A_877 = arith.addi %mul3A_4, %add3A_876 : i32
    %dma_start3A_878 = arith.constant 220 : i32
    %dma_start3A_879 = arith.constant 0 : i32
    %dma_start3A_880 = tpu.memref_slice %arg11[%dma_start3A_878, %dma_start3A_879] : memref<640x64xf32, #tpu.memory_space<vmem>> -> memref<20x64xf32, #tpu.memory_space<vmem>>
    %dma_start3A_881 = arith.constant 0 : i32
    %dma_start3A_882 = tpu.memref_slice %arg6[%add3A_877, %dma_start3A_881] : memref<24576x128xf32, #tpu.memory_space<hbm>> -> memref<20x64xf32, #tpu.memory_space<hbm>>
    %dma_start3A_883 = arith.constant 0 : i32
    %dma_start3A_884 = tpu.memref_slice %arg6[%add3A_877, %dma_start3A_883] : memref<24576x128xf32, #tpu.memory_space<hbm>> -> memref<20x64xf32, #tpu.memory_space<hbm>>
    %dma_start3A_885 = arith.constant 220 : i32
    %dma_start3A_886 = arith.constant 0 : i32
    %dma_start3A_887 = tpu.memref_slice %arg11[%dma_start3A_885, %dma_start3A_886] : memref<640x64xf32, #tpu.memory_space<vmem>> -> memref<20x64xf32, #tpu.memory_space<vmem>>
    tpu.enqueue_dma source(%dma_start3A_887 : memref<20x64xf32, #tpu.memory_space<vmem>>) target(%dma_start3A_884 : memref<20x64xf32, #tpu.memory_space<hbm>>) target_semaphore(%arg14 : memref<!tpu.dma_semaphore, #tpu.memory_space<semaphore_mem>>)
    %add3A_888 = arith.constant 288 : i32
    %add3A_889 = arith.addi %mul3A_4, %add3A_888 : i32
    %dma_start3A_890 = arith.constant 240 : i32
    %dma_start3A_891 = arith.constant 0 : i32
    %dma_start3A_892 = tpu.memref_slice %arg11[%dma_start3A_890, %dma_start3A_891] : memref<640x64xf32, #tpu.memory_space<vmem>> -> memref<20x64xf32, #tpu.memory_space<vmem>>
    %dma_start3A_893 = arith.constant 0 : i32
    %dma_start3A_894 = tpu.memref_slice %arg6[%add3A_889, %dma_start3A_893] : memref<24576x128xf32, #tpu.memory_space<hbm>> -> memref<20x64xf32, #tpu.memory_space<hbm>>
    %dma_start3A_895 = arith.constant 0 : i32
    %dma_start3A_896 = tpu.memref_slice %arg6[%add3A_889, %dma_start3A_895] : memref<24576x128xf32, #tpu.memory_space<hbm>> -> memref<20x64xf32, #tpu.memory_space<hbm>>
    %dma_start3A_897 = arith.constant 240 : i32
    %dma_start3A_898 = arith.constant 0 : i32
    %dma_start3A_899 = tpu.memref_slice %arg11[%dma_start3A_897, %dma_start3A_898] : memref<640x64xf32, #tpu.memory_space<vmem>> -> memref<20x64xf32, #tpu.memory_space<vmem>>
    tpu.enqueue_dma source(%dma_start3A_899 : memref<20x64xf32, #tpu.memory_space<vmem>>) target(%dma_start3A_896 : memref<20x64xf32, #tpu.memory_space<hbm>>) target_semaphore(%arg14 : memref<!tpu.dma_semaphore, #tpu.memory_space<semaphore_mem>>)
    %add3A_900 = arith.constant 312 : i32
    %add3A_901 = arith.addi %mul3A_4, %add3A_900 : i32
    %dma_start3A_902 = arith.constant 260 : i32
    %dma_start3A_903 = arith.constant 0 : i32
    %dma_start3A_904 = tpu.memref_slice %arg11[%dma_start3A_902, %dma_start3A_903] : memref<640x64xf32, #tpu.memory_space<vmem>> -> memref<20x64xf32, #tpu.memory_space<vmem>>
    %dma_start3A_905 = arith.constant 0 : i32
    %dma_start3A_906 = tpu.memref_slice %arg6[%add3A_901, %dma_start3A_905] : memref<24576x128xf32, #tpu.memory_space<hbm>> -> memref<20x64xf32, #tpu.memory_space<hbm>>
    %dma_start3A_907 = arith.constant 0 : i32
    %dma_start3A_908 = tpu.memref_slice %arg6[%add3A_901, %dma_start3A_907] : memref<24576x128xf32, #tpu.memory_space<hbm>> -> memref<20x64xf32, #tpu.memory_space<hbm>>
    %dma_start3A_909 = arith.constant 260 : i32
    %dma_start3A_910 = arith.constant 0 : i32
    %dma_start3A_911 = tpu.memref_slice %arg11[%dma_start3A_909, %dma_start3A_910] : memref<640x64xf32, #tpu.memory_space<vmem>> -> memref<20x64xf32, #tpu.memory_space<vmem>>
    tpu.enqueue_dma source(%dma_start3A_911 : memref<20x64xf32, #tpu.memory_space<vmem>>) target(%dma_start3A_908 : memref<20x64xf32, #tpu.memory_space<hbm>>) target_semaphore(%arg14 : memref<!tpu.dma_semaphore, #tpu.memory_space<semaphore_mem>>)
    %add3A_912 = arith.constant 336 : i32
    %add3A_913 = arith.addi %mul3A_4, %add3A_912 : i32
    %dma_start3A_914 = arith.constant 280 : i32
    %dma_start3A_915 = arith.constant 0 : i32
    %dma_start3A_916 = tpu.memref_slice %arg11[%dma_start3A_914, %dma_start3A_915] : memref<640x64xf32, #tpu.memory_space<vmem>> -> memref<20x64xf32, #tpu.memory_space<vmem>>
    %dma_start3A_917 = arith.constant 0 : i32
    %dma_start3A_918 = tpu.memref_slice %arg6[%add3A_913, %dma_start3A_917] : memref<24576x128xf32, #tpu.memory_space<hbm>> -> memref<20x64xf32, #tpu.memory_space<hbm>>
    %dma_start3A_919 = arith.constant 0 : i32
    %dma_start3A_920 = tpu.memref_slice %arg6[%add3A_913, %dma_start3A_919] : memref<24576x128xf32, #tpu.memory_space<hbm>> -> memref<20x64xf32, #tpu.memory_space<hbm>>
    %dma_start3A_921 = arith.constant 280 : i32
    %dma_start3A_922 = arith.constant 0 : i32
    %dma_start3A_923 = tpu.memref_slice %arg11[%dma_start3A_921, %dma_start3A_922] : memref<640x64xf32, #tpu.memory_space<vmem>> -> memref<20x64xf32, #tpu.memory_space<vmem>>
    tpu.enqueue_dma source(%dma_start3A_923 : memref<20x64xf32, #tpu.memory_space<vmem>>) target(%dma_start3A_920 : memref<20x64xf32, #tpu.memory_space<hbm>>) target_semaphore(%arg14 : memref<!tpu.dma_semaphore, #tpu.memory_space<semaphore_mem>>)
    %add3A_924 = arith.constant 360 : i32
    %add3A_925 = arith.addi %mul3A_4, %add3A_924 : i32
    %dma_start3A_926 = arith.constant 300 : i32
    %dma_start3A_927 = arith.constant 0 : i32
    %dma_start3A_928 = tpu.memref_slice %arg11[%dma_start3A_926, %dma_start3A_927] : memref<640x64xf32, #tpu.memory_space<vmem>> -> memref<20x64xf32, #tpu.memory_space<vmem>>
    %dma_start3A_929 = arith.constant 0 : i32
    %dma_start3A_930 = tpu.memref_slice %arg6[%add3A_925, %dma_start3A_929] : memref<24576x128xf32, #tpu.memory_space<hbm>> -> memref<20x64xf32, #tpu.memory_space<hbm>>
    %dma_start3A_931 = arith.constant 0 : i32
    %dma_start3A_932 = tpu.memref_slice %arg6[%add3A_925, %dma_start3A_931] : memref<24576x128xf32, #tpu.memory_space<hbm>> -> memref<20x64xf32, #tpu.memory_space<hbm>>
    %dma_start3A_933 = arith.constant 300 : i32
    %dma_start3A_934 = arith.constant 0 : i32
    %dma_start3A_935 = tpu.memref_slice %arg11[%dma_start3A_933, %dma_start3A_934] : memref<640x64xf32, #tpu.memory_space<vmem>> -> memref<20x64xf32, #tpu.memory_space<vmem>>
    tpu.enqueue_dma source(%dma_start3A_935 : memref<20x64xf32, #tpu.memory_space<vmem>>) target(%dma_start3A_932 : memref<20x64xf32, #tpu.memory_space<hbm>>) target_semaphore(%arg14 : memref<!tpu.dma_semaphore, #tpu.memory_space<semaphore_mem>>)
    %add3A_936 = arith.constant 384 : i32
    %add3A_937 = arith.addi %mul3A_4, %add3A_936 : i32
    %dma_start3A_938 = arith.constant 320 : i32
    %dma_start3A_939 = arith.constant 0 : i32
    %dma_start3A_940 = tpu.memref_slice %arg11[%dma_start3A_938, %dma_start3A_939] : memref<640x64xf32, #tpu.memory_space<vmem>> -> memref<20x64xf32, #tpu.memory_space<vmem>>
    %dma_start3A_941 = arith.constant 0 : i32
    %dma_start3A_942 = tpu.memref_slice %arg6[%add3A_937, %dma_start3A_941] : memref<24576x128xf32, #tpu.memory_space<hbm>> -> memref<20x64xf32, #tpu.memory_space<hbm>>
    %dma_start3A_943 = arith.constant 0 : i32
    %dma_start3A_944 = tpu.memref_slice %arg6[%add3A_937, %dma_start3A_943] : memref<24576x128xf32, #tpu.memory_space<hbm>> -> memref<20x64xf32, #tpu.memory_space<hbm>>
    %dma_start3A_945 = arith.constant 320 : i32
    %dma_start3A_946 = arith.constant 0 : i32
    %dma_start3A_947 = tpu.memref_slice %arg11[%dma_start3A_945, %dma_start3A_946] : memref<640x64xf32, #tpu.memory_space<vmem>> -> memref<20x64xf32, #tpu.memory_space<vmem>>
    tpu.enqueue_dma source(%dma_start3A_947 : memref<20x64xf32, #tpu.memory_space<vmem>>) target(%dma_start3A_944 : memref<20x64xf32, #tpu.memory_space<hbm>>) target_semaphore(%arg14 : memref<!tpu.dma_semaphore, #tpu.memory_space<semaphore_mem>>)
    %add3A_948 = arith.constant 408 : i32
    %add3A_949 = arith.addi %mul3A_4, %add3A_948 : i32
    %dma_start3A_950 = arith.constant 340 : i32
    %dma_start3A_951 = arith.constant 0 : i32
    %dma_start3A_952 = tpu.memref_slice %arg11[%dma_start3A_950, %dma_start3A_951] : memref<640x64xf32, #tpu.memory_space<vmem>> -> memref<20x64xf32, #tpu.memory_space<vmem>>
    %dma_start3A_953 = arith.constant 0 : i32
    %dma_start3A_954 = tpu.memref_slice %arg6[%add3A_949, %dma_start3A_953] : memref<24576x128xf32, #tpu.memory_space<hbm>> -> memref<20x64xf32, #tpu.memory_space<hbm>>
    %dma_start3A_955 = arith.constant 0 : i32
    %dma_start3A_956 = tpu.memref_slice %arg6[%add3A_949, %dma_start3A_955] : memref<24576x128xf32, #tpu.memory_space<hbm>> -> memref<20x64xf32, #tpu.memory_space<hbm>>
    %dma_start3A_957 = arith.constant 340 : i32
    %dma_start3A_958 = arith.constant 0 : i32
    %dma_start3A_959 = tpu.memref_slice %arg11[%dma_start3A_957, %dma_start3A_958] : memref<640x64xf32, #tpu.memory_space<vmem>> -> memref<20x64xf32, #tpu.memory_space<vmem>>
    tpu.enqueue_dma source(%dma_start3A_959 : memref<20x64xf32, #tpu.memory_space<vmem>>) target(%dma_start3A_956 : memref<20x64xf32, #tpu.memory_space<hbm>>) target_semaphore(%arg14 : memref<!tpu.dma_semaphore, #tpu.memory_space<semaphore_mem>>)
    %add3A_960 = arith.constant 432 : i32
    %add3A_961 = arith.addi %mul3A_4, %add3A_960 : i32
    %dma_start3A_962 = arith.constant 360 : i32
    %dma_start3A_963 = arith.constant 0 : i32
    %dma_start3A_964 = tpu.memref_slice %arg11[%dma_start3A_962, %dma_start3A_963] : memref<640x64xf32, #tpu.memory_space<vmem>> -> memref<20x64xf32, #tpu.memory_space<vmem>>
    %dma_start3A_965 = arith.constant 0 : i32
    %dma_start3A_966 = tpu.memref_slice %arg6[%add3A_961, %dma_start3A_965] : memref<24576x128xf32, #tpu.memory_space<hbm>> -> memref<20x64xf32, #tpu.memory_space<hbm>>
    %dma_start3A_967 = arith.constant 0 : i32
    %dma_start3A_968 = tpu.memref_slice %arg6[%add3A_961, %dma_start3A_967] : memref<24576x128xf32, #tpu.memory_space<hbm>> -> memref<20x64xf32, #tpu.memory_space<hbm>>
    %dma_start3A_969 = arith.constant 360 : i32
    %dma_start3A_970 = arith.constant 0 : i32
    %dma_start3A_971 = tpu.memref_slice %arg11[%dma_start3A_969, %dma_start3A_970] : memref<640x64xf32, #tpu.memory_space<vmem>> -> memref<20x64xf32, #tpu.memory_space<vmem>>
    tpu.enqueue_dma source(%dma_start3A_971 : memref<20x64xf32, #tpu.memory_space<vmem>>) target(%dma_start3A_968 : memref<20x64xf32, #tpu.memory_space<hbm>>) target_semaphore(%arg14 : memref<!tpu.dma_semaphore, #tpu.memory_space<semaphore_mem>>)
    %add3A_972 = arith.constant 456 : i32
    %add3A_973 = arith.addi %mul3A_4, %add3A_972 : i32
    %dma_start3A_974 = arith.constant 380 : i32
    %dma_start3A_975 = arith.constant 0 : i32
    %dma_start3A_976 = tpu.memref_slice %arg11[%dma_start3A_974, %dma_start3A_975] : memref<640x64xf32, #tpu.memory_space<vmem>> -> memref<20x64xf32, #tpu.memory_space<vmem>>
    %dma_start3A_977 = arith.constant 0 : i32
    %dma_start3A_978 = tpu.memref_slice %arg6[%add3A_973, %dma_start3A_977] : memref<24576x128xf32, #tpu.memory_space<hbm>> -> memref<20x64xf32, #tpu.memory_space<hbm>>
    %dma_start3A_979 = arith.constant 0 : i32
    %dma_start3A_980 = tpu.memref_slice %arg6[%add3A_973, %dma_start3A_979] : memref<24576x128xf32, #tpu.memory_space<hbm>> -> memref<20x64xf32, #tpu.memory_space<hbm>>
    %dma_start3A_981 = arith.constant 380 : i32
    %dma_start3A_982 = arith.constant 0 : i32
    %dma_start3A_983 = tpu.memref_slice %arg11[%dma_start3A_981, %dma_start3A_982] : memref<640x64xf32, #tpu.memory_space<vmem>> -> memref<20x64xf32, #tpu.memory_space<vmem>>
    tpu.enqueue_dma source(%dma_start3A_983 : memref<20x64xf32, #tpu.memory_space<vmem>>) target(%dma_start3A_980 : memref<20x64xf32, #tpu.memory_space<hbm>>) target_semaphore(%arg14 : memref<!tpu.dma_semaphore, #tpu.memory_space<semaphore_mem>>)
    %add3A_984 = arith.constant 480 : i32
    %add3A_985 = arith.addi %mul3A_4, %add3A_984 : i32
    %dma_start3A_986 = arith.constant 400 : i32
    %dma_start3A_987 = arith.constant 0 : i32
    %dma_start3A_988 = tpu.memref_slice %arg11[%dma_start3A_986, %dma_start3A_987] : memref<640x64xf32, #tpu.memory_space<vmem>> -> memref<20x64xf32, #tpu.memory_space<vmem>>
    %dma_start3A_989 = arith.constant 0 : i32
    %dma_start3A_990 = tpu.memref_slice %arg6[%add3A_985, %dma_start3A_989] : memref<24576x128xf32, #tpu.memory_space<hbm>> -> memref<20x64xf32, #tpu.memory_space<hbm>>
    %dma_start3A_991 = arith.constant 0 : i32
    %dma_start3A_992 = tpu.memref_slice %arg6[%add3A_985, %dma_start3A_991] : memref<24576x128xf32, #tpu.memory_space<hbm>> -> memref<20x64xf32, #tpu.memory_space<hbm>>
    %dma_start3A_993 = arith.constant 400 : i32
    %dma_start3A_994 = arith.constant 0 : i32
    %dma_start3A_995 = tpu.memref_slice %arg11[%dma_start3A_993, %dma_start3A_994] : memref<640x64xf32, #tpu.memory_space<vmem>> -> memref<20x64xf32, #tpu.memory_space<vmem>>
    tpu.enqueue_dma source(%dma_start3A_995 : memref<20x64xf32, #tpu.memory_space<vmem>>) target(%dma_start3A_992 : memref<20x64xf32, #tpu.memory_space<hbm>>) target_semaphore(%arg14 : memref<!tpu.dma_semaphore, #tpu.memory_space<semaphore_mem>>)
    %add3A_996 = arith.constant 504 : i32
    %add3A_997 = arith.addi %mul3A_4, %add3A_996 : i32
    %dma_start3A_998 = arith.constant 420 : i32
    %dma_start3A_999 = arith.constant 0 : i32
    %dma_start3A_1000 = tpu.memref_slice %arg11[%dma_start3A_998, %dma_start3A_999] : memref<640x64xf32, #tpu.memory_space<vmem>> -> memref<20x64xf32, #tpu.memory_space<vmem>>
    %dma_start3A_1001 = arith.constant 0 : i32
    %dma_start3A_1002 = tpu.memref_slice %arg6[%add3A_997, %dma_start3A_1001] : memref<24576x128xf32, #tpu.memory_space<hbm>> -> memref<20x64xf32, #tpu.memory_space<hbm>>
    %dma_start3A_1003 = arith.constant 0 : i32
    %dma_start3A_1004 = tpu.memref_slice %arg6[%add3A_997, %dma_start3A_1003] : memref<24576x128xf32, #tpu.memory_space<hbm>> -> memref<20x64xf32, #tpu.memory_space<hbm>>
    %dma_start3A_1005 = arith.constant 420 : i32
    %dma_start3A_1006 = arith.constant 0 : i32
    %dma_start3A_1007 = tpu.memref_slice %arg11[%dma_start3A_1005, %dma_start3A_1006] : memref<640x64xf32, #tpu.memory_space<vmem>> -> memref<20x64xf32, #tpu.memory_space<vmem>>
    tpu.enqueue_dma source(%dma_start3A_1007 : memref<20x64xf32, #tpu.memory_space<vmem>>) target(%dma_start3A_1004 : memref<20x64xf32, #tpu.memory_space<hbm>>) target_semaphore(%arg14 : memref<!tpu.dma_semaphore, #tpu.memory_space<semaphore_mem>>)
    %add3A_1008 = arith.constant 528 : i32
    %add3A_1009 = arith.addi %mul3A_4, %add3A_1008 : i32
    %dma_start3A_1010 = arith.constant 440 : i32
    %dma_start3A_1011 = arith.constant 0 : i32
    %dma_start3A_1012 = tpu.memref_slice %arg11[%dma_start3A_1010, %dma_start3A_1011] : memref<640x64xf32, #tpu.memory_space<vmem>> -> memref<20x64xf32, #tpu.memory_space<vmem>>
    %dma_start3A_1013 = arith.constant 0 : i32
    %dma_start3A_1014 = tpu.memref_slice %arg6[%add3A_1009, %dma_start3A_1013] : memref<24576x128xf32, #tpu.memory_space<hbm>> -> memref<20x64xf32, #tpu.memory_space<hbm>>
    %dma_start3A_1015 = arith.constant 0 : i32
    %dma_start3A_1016 = tpu.memref_slice %arg6[%add3A_1009, %dma_start3A_1015] : memref<24576x128xf32, #tpu.memory_space<hbm>> -> memref<20x64xf32, #tpu.memory_space<hbm>>
    %dma_start3A_1017 = arith.constant 440 : i32
    %dma_start3A_1018 = arith.constant 0 : i32
    %dma_start3A_1019 = tpu.memref_slice %arg11[%dma_start3A_1017, %dma_start3A_1018] : memref<640x64xf32, #tpu.memory_space<vmem>> -> memref<20x64xf32, #tpu.memory_space<vmem>>
    tpu.enqueue_dma source(%dma_start3A_1019 : memref<20x64xf32, #tpu.memory_space<vmem>>) target(%dma_start3A_1016 : memref<20x64xf32, #tpu.memory_space<hbm>>) target_semaphore(%arg14 : memref<!tpu.dma_semaphore, #tpu.memory_space<semaphore_mem>>)
    %add3A_1020 = arith.constant 552 : i32
    %add3A_1021 = arith.addi %mul3A_4, %add3A_1020 : i32
    %dma_start3A_1022 = arith.constant 460 : i32
    %dma_start3A_1023 = arith.constant 0 : i32
    %dma_start3A_1024 = tpu.memref_slice %arg11[%dma_start3A_1022, %dma_start3A_1023] : memref<640x64xf32, #tpu.memory_space<vmem>> -> memref<20x64xf32, #tpu.memory_space<vmem>>
    %dma_start3A_1025 = arith.constant 0 : i32
    %dma_start3A_1026 = tpu.memref_slice %arg6[%add3A_1021, %dma_start3A_1025] : memref<24576x128xf32, #tpu.memory_space<hbm>> -> memref<20x64xf32, #tpu.memory_space<hbm>>
    %dma_start3A_1027 = arith.constant 0 : i32
    %dma_start3A_1028 = tpu.memref_slice %arg6[%add3A_1021, %dma_start3A_1027] : memref<24576x128xf32, #tpu.memory_space<hbm>> -> memref<20x64xf32, #tpu.memory_space<hbm>>
    %dma_start3A_1029 = arith.constant 460 : i32
    %dma_start3A_1030 = arith.constant 0 : i32
    %dma_start3A_1031 = tpu.memref_slice %arg11[%dma_start3A_1029, %dma_start3A_1030] : memref<640x64xf32, #tpu.memory_space<vmem>> -> memref<20x64xf32, #tpu.memory_space<vmem>>
    tpu.enqueue_dma source(%dma_start3A_1031 : memref<20x64xf32, #tpu.memory_space<vmem>>) target(%dma_start3A_1028 : memref<20x64xf32, #tpu.memory_space<hbm>>) target_semaphore(%arg14 : memref<!tpu.dma_semaphore, #tpu.memory_space<semaphore_mem>>)
    %add3A_1032 = arith.constant 576 : i32
    %add3A_1033 = arith.addi %mul3A_4, %add3A_1032 : i32
    %dma_start3A_1034 = arith.constant 480 : i32
    %dma_start3A_1035 = arith.constant 0 : i32
    %dma_start3A_1036 = tpu.memref_slice %arg11[%dma_start3A_1034, %dma_start3A_1035] : memref<640x64xf32, #tpu.memory_space<vmem>> -> memref<20x64xf32, #tpu.memory_space<vmem>>
    %dma_start3A_1037 = arith.constant 0 : i32
    %dma_start3A_1038 = tpu.memref_slice %arg6[%add3A_1033, %dma_start3A_1037] : memref<24576x128xf32, #tpu.memory_space<hbm>> -> memref<20x64xf32, #tpu.memory_space<hbm>>
    %dma_start3A_1039 = arith.constant 0 : i32
    %dma_start3A_1040 = tpu.memref_slice %arg6[%add3A_1033, %dma_start3A_1039] : memref<24576x128xf32, #tpu.memory_space<hbm>> -> memref<20x64xf32, #tpu.memory_space<hbm>>
    %dma_start3A_1041 = arith.constant 480 : i32
    %dma_start3A_1042 = arith.constant 0 : i32
    %dma_start3A_1043 = tpu.memref_slice %arg11[%dma_start3A_1041, %dma_start3A_1042] : memref<640x64xf32, #tpu.memory_space<vmem>> -> memref<20x64xf32, #tpu.memory_space<vmem>>
    tpu.enqueue_dma source(%dma_start3A_1043 : memref<20x64xf32, #tpu.memory_space<vmem>>) target(%dma_start3A_1040 : memref<20x64xf32, #tpu.memory_space<hbm>>) target_semaphore(%arg14 : memref<!tpu.dma_semaphore, #tpu.memory_space<semaphore_mem>>)
    %add3A_1044 = arith.constant 600 : i32
    %add3A_1045 = arith.addi %mul3A_4, %add3A_1044 : i32
    %dma_start3A_1046 = arith.constant 500 : i32
    %dma_start3A_1047 = arith.constant 0 : i32
    %dma_start3A_1048 = tpu.memref_slice %arg11[%dma_start3A_1046, %dma_start3A_1047] : memref<640x64xf32, #tpu.memory_space<vmem>> -> memref<20x64xf32, #tpu.memory_space<vmem>>
    %dma_start3A_1049 = arith.constant 0 : i32
    %dma_start3A_1050 = tpu.memref_slice %arg6[%add3A_1045, %dma_start3A_1049] : memref<24576x128xf32, #tpu.memory_space<hbm>> -> memref<20x64xf32, #tpu.memory_space<hbm>>
    %dma_start3A_1051 = arith.constant 0 : i32
    %dma_start3A_1052 = tpu.memref_slice %arg6[%add3A_1045, %dma_start3A_1051] : memref<24576x128xf32, #tpu.memory_space<hbm>> -> memref<20x64xf32, #tpu.memory_space<hbm>>
    %dma_start3A_1053 = arith.constant 500 : i32
    %dma_start3A_1054 = arith.constant 0 : i32
    %dma_start3A_1055 = tpu.memref_slice %arg11[%dma_start3A_1053, %dma_start3A_1054] : memref<640x64xf32, #tpu.memory_space<vmem>> -> memref<20x64xf32, #tpu.memory_space<vmem>>
    tpu.enqueue_dma source(%dma_start3A_1055 : memref<20x64xf32, #tpu.memory_space<vmem>>) target(%dma_start3A_1052 : memref<20x64xf32, #tpu.memory_space<hbm>>) target_semaphore(%arg14 : memref<!tpu.dma_semaphore, #tpu.memory_space<semaphore_mem>>)
    %add3A_1056 = arith.constant 624 : i32
    %add3A_1057 = arith.addi %mul3A_4, %add3A_1056 : i32
    %dma_start3A_1058 = arith.constant 520 : i32
    %dma_start3A_1059 = arith.constant 0 : i32
    %dma_start3A_1060 = tpu.memref_slice %arg11[%dma_start3A_1058, %dma_start3A_1059] : memref<640x64xf32, #tpu.memory_space<vmem>> -> memref<20x64xf32, #tpu.memory_space<vmem>>
    %dma_start3A_1061 = arith.constant 0 : i32
    %dma_start3A_1062 = tpu.memref_slice %arg6[%add3A_1057, %dma_start3A_1061] : memref<24576x128xf32, #tpu.memory_space<hbm>> -> memref<20x64xf32, #tpu.memory_space<hbm>>
    %dma_start3A_1063 = arith.constant 0 : i32
    %dma_start3A_1064 = tpu.memref_slice %arg6[%add3A_1057, %dma_start3A_1063] : memref<24576x128xf32, #tpu.memory_space<hbm>> -> memref<20x64xf32, #tpu.memory_space<hbm>>
    %dma_start3A_1065 = arith.constant 520 : i32
    %dma_start3A_1066 = arith.constant 0 : i32
    %dma_start3A_1067 = tpu.memref_slice %arg11[%dma_start3A_1065, %dma_start3A_1066] : memref<640x64xf32, #tpu.memory_space<vmem>> -> memref<20x64xf32, #tpu.memory_space<vmem>>
    tpu.enqueue_dma source(%dma_start3A_1067 : memref<20x64xf32, #tpu.memory_space<vmem>>) target(%dma_start3A_1064 : memref<20x64xf32, #tpu.memory_space<hbm>>) target_semaphore(%arg14 : memref<!tpu.dma_semaphore, #tpu.memory_space<semaphore_mem>>)
    %add3A_1068 = arith.constant 648 : i32
    %add3A_1069 = arith.addi %mul3A_4, %add3A_1068 : i32
    %dma_start3A_1070 = arith.constant 540 : i32
    %dma_start3A_1071 = arith.constant 0 : i32
    %dma_start3A_1072 = tpu.memref_slice %arg11[%dma_start3A_1070, %dma_start3A_1071] : memref<640x64xf32, #tpu.memory_space<vmem>> -> memref<20x64xf32, #tpu.memory_space<vmem>>
    %dma_start3A_1073 = arith.constant 0 : i32
    %dma_start3A_1074 = tpu.memref_slice %arg6[%add3A_1069, %dma_start3A_1073] : memref<24576x128xf32, #tpu.memory_space<hbm>> -> memref<20x64xf32, #tpu.memory_space<hbm>>
    %dma_start3A_1075 = arith.constant 0 : i32
    %dma_start3A_1076 = tpu.memref_slice %arg6[%add3A_1069, %dma_start3A_1075] : memref<24576x128xf32, #tpu.memory_space<hbm>> -> memref<20x64xf32, #tpu.memory_space<hbm>>
    %dma_start3A_1077 = arith.constant 540 : i32
    %dma_start3A_1078 = arith.constant 0 : i32
    %dma_start3A_1079 = tpu.memref_slice %arg11[%dma_start3A_1077, %dma_start3A_1078] : memref<640x64xf32, #tpu.memory_space<vmem>> -> memref<20x64xf32, #tpu.memory_space<vmem>>
    tpu.enqueue_dma source(%dma_start3A_1079 : memref<20x64xf32, #tpu.memory_space<vmem>>) target(%dma_start3A_1076 : memref<20x64xf32, #tpu.memory_space<hbm>>) target_semaphore(%arg14 : memref<!tpu.dma_semaphore, #tpu.memory_space<semaphore_mem>>)
    %add3A_1080 = arith.constant 672 : i32
    %add3A_1081 = arith.addi %mul3A_4, %add3A_1080 : i32
    %dma_start3A_1082 = arith.constant 560 : i32
    %dma_start3A_1083 = arith.constant 0 : i32
    %dma_start3A_1084 = tpu.memref_slice %arg11[%dma_start3A_1082, %dma_start3A_1083] : memref<640x64xf32, #tpu.memory_space<vmem>> -> memref<20x64xf32, #tpu.memory_space<vmem>>
    %dma_start3A_1085 = arith.constant 0 : i32
    %dma_start3A_1086 = tpu.memref_slice %arg6[%add3A_1081, %dma_start3A_1085] : memref<24576x128xf32, #tpu.memory_space<hbm>> -> memref<20x64xf32, #tpu.memory_space<hbm>>
    %dma_start3A_1087 = arith.constant 0 : i32
    %dma_start3A_1088 = tpu.memref_slice %arg6[%add3A_1081, %dma_start3A_1087] : memref<24576x128xf32, #tpu.memory_space<hbm>> -> memref<20x64xf32, #tpu.memory_space<hbm>>
    %dma_start3A_1089 = arith.constant 560 : i32
    %dma_start3A_1090 = arith.constant 0 : i32
    %dma_start3A_1091 = tpu.memref_slice %arg11[%dma_start3A_1089, %dma_start3A_1090] : memref<640x64xf32, #tpu.memory_space<vmem>> -> memref<20x64xf32, #tpu.memory_space<vmem>>
    tpu.enqueue_dma source(%dma_start3A_1091 : memref<20x64xf32, #tpu.memory_space<vmem>>) target(%dma_start3A_1088 : memref<20x64xf32, #tpu.memory_space<hbm>>) target_semaphore(%arg14 : memref<!tpu.dma_semaphore, #tpu.memory_space<semaphore_mem>>)
    %add3A_1092 = arith.constant 696 : i32
    %add3A_1093 = arith.addi %mul3A_4, %add3A_1092 : i32
    %dma_start3A_1094 = arith.constant 580 : i32
    %dma_start3A_1095 = arith.constant 0 : i32
    %dma_start3A_1096 = tpu.memref_slice %arg11[%dma_start3A_1094, %dma_start3A_1095] : memref<640x64xf32, #tpu.memory_space<vmem>> -> memref<20x64xf32, #tpu.memory_space<vmem>>
    %dma_start3A_1097 = arith.constant 0 : i32
    %dma_start3A_1098 = tpu.memref_slice %arg6[%add3A_1093, %dma_start3A_1097] : memref<24576x128xf32, #tpu.memory_space<hbm>> -> memref<20x64xf32, #tpu.memory_space<hbm>>
    %dma_start3A_1099 = arith.constant 0 : i32
    %dma_start3A_1100 = tpu.memref_slice %arg6[%add3A_1093, %dma_start3A_1099] : memref<24576x128xf32, #tpu.memory_space<hbm>> -> memref<20x64xf32, #tpu.memory_space<hbm>>
    %dma_start3A_1101 = arith.constant 580 : i32
    %dma_start3A_1102 = arith.constant 0 : i32
    %dma_start3A_1103 = tpu.memref_slice %arg11[%dma_start3A_1101, %dma_start3A_1102] : memref<640x64xf32, #tpu.memory_space<vmem>> -> memref<20x64xf32, #tpu.memory_space<vmem>>
    tpu.enqueue_dma source(%dma_start3A_1103 : memref<20x64xf32, #tpu.memory_space<vmem>>) target(%dma_start3A_1100 : memref<20x64xf32, #tpu.memory_space<hbm>>) target_semaphore(%arg14 : memref<!tpu.dma_semaphore, #tpu.memory_space<semaphore_mem>>)
    %add3A_1104 = arith.constant 720 : i32
    %add3A_1105 = arith.addi %mul3A_4, %add3A_1104 : i32
    %dma_start3A_1106 = arith.constant 600 : i32
    %dma_start3A_1107 = arith.constant 0 : i32
    %dma_start3A_1108 = tpu.memref_slice %arg11[%dma_start3A_1106, %dma_start3A_1107] : memref<640x64xf32, #tpu.memory_space<vmem>> -> memref<20x64xf32, #tpu.memory_space<vmem>>
    %dma_start3A_1109 = arith.constant 0 : i32
    %dma_start3A_1110 = tpu.memref_slice %arg6[%add3A_1105, %dma_start3A_1109] : memref<24576x128xf32, #tpu.memory_space<hbm>> -> memref<20x64xf32, #tpu.memory_space<hbm>>
    %dma_start3A_1111 = arith.constant 0 : i32
    %dma_start3A_1112 = tpu.memref_slice %arg6[%add3A_1105, %dma_start3A_1111] : memref<24576x128xf32, #tpu.memory_space<hbm>> -> memref<20x64xf32, #tpu.memory_space<hbm>>
    %dma_start3A_1113 = arith.constant 600 : i32
    %dma_start3A_1114 = arith.constant 0 : i32
    %dma_start3A_1115 = tpu.memref_slice %arg11[%dma_start3A_1113, %dma_start3A_1114] : memref<640x64xf32, #tpu.memory_space<vmem>> -> memref<20x64xf32, #tpu.memory_space<vmem>>
    tpu.enqueue_dma source(%dma_start3A_1115 : memref<20x64xf32, #tpu.memory_space<vmem>>) target(%dma_start3A_1112 : memref<20x64xf32, #tpu.memory_space<hbm>>) target_semaphore(%arg14 : memref<!tpu.dma_semaphore, #tpu.memory_space<semaphore_mem>>)
    %add3A_1116 = arith.constant 744 : i32
    %add3A_1117 = arith.addi %mul3A_4, %add3A_1116 : i32
    %dma_start3A_1118 = arith.constant 620 : i32
    %dma_start3A_1119 = arith.constant 0 : i32
    %dma_start3A_1120 = tpu.memref_slice %arg11[%dma_start3A_1118, %dma_start3A_1119] : memref<640x64xf32, #tpu.memory_space<vmem>> -> memref<20x64xf32, #tpu.memory_space<vmem>>
    %dma_start3A_1121 = arith.constant 0 : i32
    %dma_start3A_1122 = tpu.memref_slice %arg6[%add3A_1117, %dma_start3A_1121] : memref<24576x128xf32, #tpu.memory_space<hbm>> -> memref<20x64xf32, #tpu.memory_space<hbm>>
    %dma_start3A_1123 = arith.constant 0 : i32
    %dma_start3A_1124 = tpu.memref_slice %arg6[%add3A_1117, %dma_start3A_1123] : memref<24576x128xf32, #tpu.memory_space<hbm>> -> memref<20x64xf32, #tpu.memory_space<hbm>>
    %dma_start3A_1125 = arith.constant 620 : i32
    %dma_start3A_1126 = arith.constant 0 : i32
    %dma_start3A_1127 = tpu.memref_slice %arg11[%dma_start3A_1125, %dma_start3A_1126] : memref<640x64xf32, #tpu.memory_space<vmem>> -> memref<20x64xf32, #tpu.memory_space<vmem>>
    tpu.enqueue_dma source(%dma_start3A_1127 : memref<20x64xf32, #tpu.memory_space<vmem>>) target(%dma_start3A_1124 : memref<20x64xf32, #tpu.memory_space<hbm>>) target_semaphore(%arg14 : memref<!tpu.dma_semaphore, #tpu.memory_space<semaphore_mem>>)
    %dma_wait3A_1128 = arith.constant 0 : i32
    %dma_wait3A_1129 = arith.constant 0 : i32
    %dma_wait3A_1130 = tpu.memref_slice %arg11[%dma_wait3A_1128, %dma_wait3A_1129] : memref<640x64xf32, #tpu.memory_space<vmem>> -> memref<20x64xf32, #tpu.memory_space<vmem>>
    %dma_wait3A_1131 = arith.constant 0 : i32
    %dma_wait3A_1132 = tpu.memref_slice %arg6[%add3A_745, %dma_wait3A_1131] : memref<24576x128xf32, #tpu.memory_space<hbm>> -> memref<20x64xf32, #tpu.memory_space<hbm>>
    %dma_wait3A_1133 = arith.constant 0 : i32
    %dma_wait3A_1134 = tpu.memref_slice %arg6[%add3A_745, %dma_wait3A_1133] : memref<24576x128xf32, #tpu.memory_space<hbm>> -> memref<20x64xf32, #tpu.memory_space<hbm>>
    %dma_wait3A_1135 = arith.constant 0 : i32
    %dma_wait3A_1136 = arith.constant 0 : i32
    %dma_wait3A_1137 = tpu.memref_slice %arg11[%dma_wait3A_1135, %dma_wait3A_1136] : memref<640x64xf32, #tpu.memory_space<vmem>> -> memref<20x64xf32, #tpu.memory_space<vmem>>
    tpu.wait_dma2 semaphore(%arg14 : memref<!tpu.dma_semaphore, #tpu.memory_space<semaphore_mem>>) src(%dma_wait3A_1137 : memref<20x64xf32, #tpu.memory_space<vmem>>) dst(%dma_wait3A_1134 : memref<20x64xf32, #tpu.memory_space<hbm>>)
    %dma_wait3A_1138 = arith.constant 20 : i32
    %dma_wait3A_1139 = arith.constant 0 : i32
    %dma_wait3A_1140 = tpu.memref_slice %arg11[%dma_wait3A_1138, %dma_wait3A_1139] : memref<640x64xf32, #tpu.memory_space<vmem>> -> memref<20x64xf32, #tpu.memory_space<vmem>>
    %dma_wait3A_1141 = arith.constant 0 : i32
    %dma_wait3A_1142 = tpu.memref_slice %arg6[%add3A_757, %dma_wait3A_1141] : memref<24576x128xf32, #tpu.memory_space<hbm>> -> memref<20x64xf32, #tpu.memory_space<hbm>>
    %dma_wait3A_1143 = arith.constant 0 : i32
    %dma_wait3A_1144 = tpu.memref_slice %arg6[%add3A_757, %dma_wait3A_1143] : memref<24576x128xf32, #tpu.memory_space<hbm>> -> memref<20x64xf32, #tpu.memory_space<hbm>>
    %dma_wait3A_1145 = arith.constant 20 : i32
    %dma_wait3A_1146 = arith.constant 0 : i32
    %dma_wait3A_1147 = tpu.memref_slice %arg11[%dma_wait3A_1145, %dma_wait3A_1146] : memref<640x64xf32, #tpu.memory_space<vmem>> -> memref<20x64xf32, #tpu.memory_space<vmem>>
    tpu.wait_dma2 semaphore(%arg14 : memref<!tpu.dma_semaphore, #tpu.memory_space<semaphore_mem>>) src(%dma_wait3A_1147 : memref<20x64xf32, #tpu.memory_space<vmem>>) dst(%dma_wait3A_1144 : memref<20x64xf32, #tpu.memory_space<hbm>>)
    %dma_wait3A_1148 = arith.constant 40 : i32
    %dma_wait3A_1149 = arith.constant 0 : i32
    %dma_wait3A_1150 = tpu.memref_slice %arg11[%dma_wait3A_1148, %dma_wait3A_1149] : memref<640x64xf32, #tpu.memory_space<vmem>> -> memref<20x64xf32, #tpu.memory_space<vmem>>
    %dma_wait3A_1151 = arith.constant 0 : i32
    %dma_wait3A_1152 = tpu.memref_slice %arg6[%add3A_769, %dma_wait3A_1151] : memref<24576x128xf32, #tpu.memory_space<hbm>> -> memref<20x64xf32, #tpu.memory_space<hbm>>
    %dma_wait3A_1153 = arith.constant 0 : i32
    %dma_wait3A_1154 = tpu.memref_slice %arg6[%add3A_769, %dma_wait3A_1153] : memref<24576x128xf32, #tpu.memory_space<hbm>> -> memref<20x64xf32, #tpu.memory_space<hbm>>
    %dma_wait3A_1155 = arith.constant 40 : i32
    %dma_wait3A_1156 = arith.constant 0 : i32
    %dma_wait3A_1157 = tpu.memref_slice %arg11[%dma_wait3A_1155, %dma_wait3A_1156] : memref<640x64xf32, #tpu.memory_space<vmem>> -> memref<20x64xf32, #tpu.memory_space<vmem>>
    tpu.wait_dma2 semaphore(%arg14 : memref<!tpu.dma_semaphore, #tpu.memory_space<semaphore_mem>>) src(%dma_wait3A_1157 : memref<20x64xf32, #tpu.memory_space<vmem>>) dst(%dma_wait3A_1154 : memref<20x64xf32, #tpu.memory_space<hbm>>)
    %dma_wait3A_1158 = arith.constant 60 : i32
    %dma_wait3A_1159 = arith.constant 0 : i32
    %dma_wait3A_1160 = tpu.memref_slice %arg11[%dma_wait3A_1158, %dma_wait3A_1159] : memref<640x64xf32, #tpu.memory_space<vmem>> -> memref<20x64xf32, #tpu.memory_space<vmem>>
    %dma_wait3A_1161 = arith.constant 0 : i32
    %dma_wait3A_1162 = tpu.memref_slice %arg6[%add3A_781, %dma_wait3A_1161] : memref<24576x128xf32, #tpu.memory_space<hbm>> -> memref<20x64xf32, #tpu.memory_space<hbm>>
    %dma_wait3A_1163 = arith.constant 0 : i32
    %dma_wait3A_1164 = tpu.memref_slice %arg6[%add3A_781, %dma_wait3A_1163] : memref<24576x128xf32, #tpu.memory_space<hbm>> -> memref<20x64xf32, #tpu.memory_space<hbm>>
    %dma_wait3A_1165 = arith.constant 60 : i32
    %dma_wait3A_1166 = arith.constant 0 : i32
    %dma_wait3A_1167 = tpu.memref_slice %arg11[%dma_wait3A_1165, %dma_wait3A_1166] : memref<640x64xf32, #tpu.memory_space<vmem>> -> memref<20x64xf32, #tpu.memory_space<vmem>>
    tpu.wait_dma2 semaphore(%arg14 : memref<!tpu.dma_semaphore, #tpu.memory_space<semaphore_mem>>) src(%dma_wait3A_1167 : memref<20x64xf32, #tpu.memory_space<vmem>>) dst(%dma_wait3A_1164 : memref<20x64xf32, #tpu.memory_space<hbm>>)
    %dma_wait3A_1168 = arith.constant 80 : i32
    %dma_wait3A_1169 = arith.constant 0 : i32
    %dma_wait3A_1170 = tpu.memref_slice %arg11[%dma_wait3A_1168, %dma_wait3A_1169] : memref<640x64xf32, #tpu.memory_space<vmem>> -> memref<20x64xf32, #tpu.memory_space<vmem>>
    %dma_wait3A_1171 = arith.constant 0 : i32
    %dma_wait3A_1172 = tpu.memref_slice %arg6[%add3A_793, %dma_wait3A_1171] : memref<24576x128xf32, #tpu.memory_space<hbm>> -> memref<20x64xf32, #tpu.memory_space<hbm>>
    %dma_wait3A_1173 = arith.constant 0 : i32
    %dma_wait3A_1174 = tpu.memref_slice %arg6[%add3A_793, %dma_wait3A_1173] : memref<24576x128xf32, #tpu.memory_space<hbm>> -> memref<20x64xf32, #tpu.memory_space<hbm>>
    %dma_wait3A_1175 = arith.constant 80 : i32
    %dma_wait3A_1176 = arith.constant 0 : i32
    %dma_wait3A_1177 = tpu.memref_slice %arg11[%dma_wait3A_1175, %dma_wait3A_1176] : memref<640x64xf32, #tpu.memory_space<vmem>> -> memref<20x64xf32, #tpu.memory_space<vmem>>
    tpu.wait_dma2 semaphore(%arg14 : memref<!tpu.dma_semaphore, #tpu.memory_space<semaphore_mem>>) src(%dma_wait3A_1177 : memref<20x64xf32, #tpu.memory_space<vmem>>) dst(%dma_wait3A_1174 : memref<20x64xf32, #tpu.memory_space<hbm>>)
    %dma_wait3A_1178 = arith.constant 100 : i32
    %dma_wait3A_1179 = arith.constant 0 : i32
    %dma_wait3A_1180 = tpu.memref_slice %arg11[%dma_wait3A_1178, %dma_wait3A_1179] : memref<640x64xf32, #tpu.memory_space<vmem>> -> memref<20x64xf32, #tpu.memory_space<vmem>>
    %dma_wait3A_1181 = arith.constant 0 : i32
    %dma_wait3A_1182 = tpu.memref_slice %arg6[%add3A_805, %dma_wait3A_1181] : memref<24576x128xf32, #tpu.memory_space<hbm>> -> memref<20x64xf32, #tpu.memory_space<hbm>>
    %dma_wait3A_1183 = arith.constant 0 : i32
    %dma_wait3A_1184 = tpu.memref_slice %arg6[%add3A_805, %dma_wait3A_1183] : memref<24576x128xf32, #tpu.memory_space<hbm>> -> memref<20x64xf32, #tpu.memory_space<hbm>>
    %dma_wait3A_1185 = arith.constant 100 : i32
    %dma_wait3A_1186 = arith.constant 0 : i32
    %dma_wait3A_1187 = tpu.memref_slice %arg11[%dma_wait3A_1185, %dma_wait3A_1186] : memref<640x64xf32, #tpu.memory_space<vmem>> -> memref<20x64xf32, #tpu.memory_space<vmem>>
    tpu.wait_dma2 semaphore(%arg14 : memref<!tpu.dma_semaphore, #tpu.memory_space<semaphore_mem>>) src(%dma_wait3A_1187 : memref<20x64xf32, #tpu.memory_space<vmem>>) dst(%dma_wait3A_1184 : memref<20x64xf32, #tpu.memory_space<hbm>>)
    %dma_wait3A_1188 = arith.constant 120 : i32
    %dma_wait3A_1189 = arith.constant 0 : i32
    %dma_wait3A_1190 = tpu.memref_slice %arg11[%dma_wait3A_1188, %dma_wait3A_1189] : memref<640x64xf32, #tpu.memory_space<vmem>> -> memref<20x64xf32, #tpu.memory_space<vmem>>
    %dma_wait3A_1191 = arith.constant 0 : i32
    %dma_wait3A_1192 = tpu.memref_slice %arg6[%add3A_817, %dma_wait3A_1191] : memref<24576x128xf32, #tpu.memory_space<hbm>> -> memref<20x64xf32, #tpu.memory_space<hbm>>
    %dma_wait3A_1193 = arith.constant 0 : i32
    %dma_wait3A_1194 = tpu.memref_slice %arg6[%add3A_817, %dma_wait3A_1193] : memref<24576x128xf32, #tpu.memory_space<hbm>> -> memref<20x64xf32, #tpu.memory_space<hbm>>
    %dma_wait3A_1195 = arith.constant 120 : i32
    %dma_wait3A_1196 = arith.constant 0 : i32
    %dma_wait3A_1197 = tpu.memref_slice %arg11[%dma_wait3A_1195, %dma_wait3A_1196] : memref<640x64xf32, #tpu.memory_space<vmem>> -> memref<20x64xf32, #tpu.memory_space<vmem>>
    tpu.wait_dma2 semaphore(%arg14 : memref<!tpu.dma_semaphore, #tpu.memory_space<semaphore_mem>>) src(%dma_wait3A_1197 : memref<20x64xf32, #tpu.memory_space<vmem>>) dst(%dma_wait3A_1194 : memref<20x64xf32, #tpu.memory_space<hbm>>)
    %dma_wait3A_1198 = arith.constant 140 : i32
    %dma_wait3A_1199 = arith.constant 0 : i32
    %dma_wait3A_1200 = tpu.memref_slice %arg11[%dma_wait3A_1198, %dma_wait3A_1199] : memref<640x64xf32, #tpu.memory_space<vmem>> -> memref<20x64xf32, #tpu.memory_space<vmem>>
    %dma_wait3A_1201 = arith.constant 0 : i32
    %dma_wait3A_1202 = tpu.memref_slice %arg6[%add3A_829, %dma_wait3A_1201] : memref<24576x128xf32, #tpu.memory_space<hbm>> -> memref<20x64xf32, #tpu.memory_space<hbm>>
    %dma_wait3A_1203 = arith.constant 0 : i32
    %dma_wait3A_1204 = tpu.memref_slice %arg6[%add3A_829, %dma_wait3A_1203] : memref<24576x128xf32, #tpu.memory_space<hbm>> -> memref<20x64xf32, #tpu.memory_space<hbm>>
    %dma_wait3A_1205 = arith.constant 140 : i32
    %dma_wait3A_1206 = arith.constant 0 : i32
    %dma_wait3A_1207 = tpu.memref_slice %arg11[%dma_wait3A_1205, %dma_wait3A_1206] : memref<640x64xf32, #tpu.memory_space<vmem>> -> memref<20x64xf32, #tpu.memory_space<vmem>>
    tpu.wait_dma2 semaphore(%arg14 : memref<!tpu.dma_semaphore, #tpu.memory_space<semaphore_mem>>) src(%dma_wait3A_1207 : memref<20x64xf32, #tpu.memory_space<vmem>>) dst(%dma_wait3A_1204 : memref<20x64xf32, #tpu.memory_space<hbm>>)
    %dma_wait3A_1208 = arith.constant 160 : i32
    %dma_wait3A_1209 = arith.constant 0 : i32
    %dma_wait3A_1210 = tpu.memref_slice %arg11[%dma_wait3A_1208, %dma_wait3A_1209] : memref<640x64xf32, #tpu.memory_space<vmem>> -> memref<20x64xf32, #tpu.memory_space<vmem>>
    %dma_wait3A_1211 = arith.constant 0 : i32
    %dma_wait3A_1212 = tpu.memref_slice %arg6[%add3A_841, %dma_wait3A_1211] : memref<24576x128xf32, #tpu.memory_space<hbm>> -> memref<20x64xf32, #tpu.memory_space<hbm>>
    %dma_wait3A_1213 = arith.constant 0 : i32
    %dma_wait3A_1214 = tpu.memref_slice %arg6[%add3A_841, %dma_wait3A_1213] : memref<24576x128xf32, #tpu.memory_space<hbm>> -> memref<20x64xf32, #tpu.memory_space<hbm>>
    %dma_wait3A_1215 = arith.constant 160 : i32
    %dma_wait3A_1216 = arith.constant 0 : i32
    %dma_wait3A_1217 = tpu.memref_slice %arg11[%dma_wait3A_1215, %dma_wait3A_1216] : memref<640x64xf32, #tpu.memory_space<vmem>> -> memref<20x64xf32, #tpu.memory_space<vmem>>
    tpu.wait_dma2 semaphore(%arg14 : memref<!tpu.dma_semaphore, #tpu.memory_space<semaphore_mem>>) src(%dma_wait3A_1217 : memref<20x64xf32, #tpu.memory_space<vmem>>) dst(%dma_wait3A_1214 : memref<20x64xf32, #tpu.memory_space<hbm>>)
    %dma_wait3A_1218 = arith.constant 180 : i32
    %dma_wait3A_1219 = arith.constant 0 : i32
    %dma_wait3A_1220 = tpu.memref_slice %arg11[%dma_wait3A_1218, %dma_wait3A_1219] : memref<640x64xf32, #tpu.memory_space<vmem>> -> memref<20x64xf32, #tpu.memory_space<vmem>>
    %dma_wait3A_1221 = arith.constant 0 : i32
    %dma_wait3A_1222 = tpu.memref_slice %arg6[%add3A_853, %dma_wait3A_1221] : memref<24576x128xf32, #tpu.memory_space<hbm>> -> memref<20x64xf32, #tpu.memory_space<hbm>>
    %dma_wait3A_1223 = arith.constant 0 : i32
    %dma_wait3A_1224 = tpu.memref_slice %arg6[%add3A_853, %dma_wait3A_1223] : memref<24576x128xf32, #tpu.memory_space<hbm>> -> memref<20x64xf32, #tpu.memory_space<hbm>>
    %dma_wait3A_1225 = arith.constant 180 : i32
    %dma_wait3A_1226 = arith.constant 0 : i32
    %dma_wait3A_1227 = tpu.memref_slice %arg11[%dma_wait3A_1225, %dma_wait3A_1226] : memref<640x64xf32, #tpu.memory_space<vmem>> -> memref<20x64xf32, #tpu.memory_space<vmem>>
    tpu.wait_dma2 semaphore(%arg14 : memref<!tpu.dma_semaphore, #tpu.memory_space<semaphore_mem>>) src(%dma_wait3A_1227 : memref<20x64xf32, #tpu.memory_space<vmem>>) dst(%dma_wait3A_1224 : memref<20x64xf32, #tpu.memory_space<hbm>>)
    %dma_wait3A_1228 = arith.constant 200 : i32
    %dma_wait3A_1229 = arith.constant 0 : i32
    %dma_wait3A_1230 = tpu.memref_slice %arg11[%dma_wait3A_1228, %dma_wait3A_1229] : memref<640x64xf32, #tpu.memory_space<vmem>> -> memref<20x64xf32, #tpu.memory_space<vmem>>
    %dma_wait3A_1231 = arith.constant 0 : i32
    %dma_wait3A_1232 = tpu.memref_slice %arg6[%add3A_865, %dma_wait3A_1231] : memref<24576x128xf32, #tpu.memory_space<hbm>> -> memref<20x64xf32, #tpu.memory_space<hbm>>
    %dma_wait3A_1233 = arith.constant 0 : i32
    %dma_wait3A_1234 = tpu.memref_slice %arg6[%add3A_865, %dma_wait3A_1233] : memref<24576x128xf32, #tpu.memory_space<hbm>> -> memref<20x64xf32, #tpu.memory_space<hbm>>
    %dma_wait3A_1235 = arith.constant 200 : i32
    %dma_wait3A_1236 = arith.constant 0 : i32
    %dma_wait3A_1237 = tpu.memref_slice %arg11[%dma_wait3A_1235, %dma_wait3A_1236] : memref<640x64xf32, #tpu.memory_space<vmem>> -> memref<20x64xf32, #tpu.memory_space<vmem>>
    tpu.wait_dma2 semaphore(%arg14 : memref<!tpu.dma_semaphore, #tpu.memory_space<semaphore_mem>>) src(%dma_wait3A_1237 : memref<20x64xf32, #tpu.memory_space<vmem>>) dst(%dma_wait3A_1234 : memref<20x64xf32, #tpu.memory_space<hbm>>)
    %dma_wait3A_1238 = arith.constant 220 : i32
    %dma_wait3A_1239 = arith.constant 0 : i32
    %dma_wait3A_1240 = tpu.memref_slice %arg11[%dma_wait3A_1238, %dma_wait3A_1239] : memref<640x64xf32, #tpu.memory_space<vmem>> -> memref<20x64xf32, #tpu.memory_space<vmem>>
    %dma_wait3A_1241 = arith.constant 0 : i32
    %dma_wait3A_1242 = tpu.memref_slice %arg6[%add3A_877, %dma_wait3A_1241] : memref<24576x128xf32, #tpu.memory_space<hbm>> -> memref<20x64xf32, #tpu.memory_space<hbm>>
    %dma_wait3A_1243 = arith.constant 0 : i32
    %dma_wait3A_1244 = tpu.memref_slice %arg6[%add3A_877, %dma_wait3A_1243] : memref<24576x128xf32, #tpu.memory_space<hbm>> -> memref<20x64xf32, #tpu.memory_space<hbm>>
    %dma_wait3A_1245 = arith.constant 220 : i32
    %dma_wait3A_1246 = arith.constant 0 : i32
    %dma_wait3A_1247 = tpu.memref_slice %arg11[%dma_wait3A_1245, %dma_wait3A_1246] : memref<640x64xf32, #tpu.memory_space<vmem>> -> memref<20x64xf32, #tpu.memory_space<vmem>>
    tpu.wait_dma2 semaphore(%arg14 : memref<!tpu.dma_semaphore, #tpu.memory_space<semaphore_mem>>) src(%dma_wait3A_1247 : memref<20x64xf32, #tpu.memory_space<vmem>>) dst(%dma_wait3A_1244 : memref<20x64xf32, #tpu.memory_space<hbm>>)
    %dma_wait3A_1248 = arith.constant 240 : i32
    %dma_wait3A_1249 = arith.constant 0 : i32
    %dma_wait3A_1250 = tpu.memref_slice %arg11[%dma_wait3A_1248, %dma_wait3A_1249] : memref<640x64xf32, #tpu.memory_space<vmem>> -> memref<20x64xf32, #tpu.memory_space<vmem>>
    %dma_wait3A_1251 = arith.constant 0 : i32
    %dma_wait3A_1252 = tpu.memref_slice %arg6[%add3A_889, %dma_wait3A_1251] : memref<24576x128xf32, #tpu.memory_space<hbm>> -> memref<20x64xf32, #tpu.memory_space<hbm>>
    %dma_wait3A_1253 = arith.constant 0 : i32
    %dma_wait3A_1254 = tpu.memref_slice %arg6[%add3A_889, %dma_wait3A_1253] : memref<24576x128xf32, #tpu.memory_space<hbm>> -> memref<20x64xf32, #tpu.memory_space<hbm>>
    %dma_wait3A_1255 = arith.constant 240 : i32
    %dma_wait3A_1256 = arith.constant 0 : i32
    %dma_wait3A_1257 = tpu.memref_slice %arg11[%dma_wait3A_1255, %dma_wait3A_1256] : memref<640x64xf32, #tpu.memory_space<vmem>> -> memref<20x64xf32, #tpu.memory_space<vmem>>
    tpu.wait_dma2 semaphore(%arg14 : memref<!tpu.dma_semaphore, #tpu.memory_space<semaphore_mem>>) src(%dma_wait3A_1257 : memref<20x64xf32, #tpu.memory_space<vmem>>) dst(%dma_wait3A_1254 : memref<20x64xf32, #tpu.memory_space<hbm>>)
    %dma_wait3A_1258 = arith.constant 260 : i32
    %dma_wait3A_1259 = arith.constant 0 : i32
    %dma_wait3A_1260 = tpu.memref_slice %arg11[%dma_wait3A_1258, %dma_wait3A_1259] : memref<640x64xf32, #tpu.memory_space<vmem>> -> memref<20x64xf32, #tpu.memory_space<vmem>>
    %dma_wait3A_1261 = arith.constant 0 : i32
    %dma_wait3A_1262 = tpu.memref_slice %arg6[%add3A_901, %dma_wait3A_1261] : memref<24576x128xf32, #tpu.memory_space<hbm>> -> memref<20x64xf32, #tpu.memory_space<hbm>>
    %dma_wait3A_1263 = arith.constant 0 : i32
    %dma_wait3A_1264 = tpu.memref_slice %arg6[%add3A_901, %dma_wait3A_1263] : memref<24576x128xf32, #tpu.memory_space<hbm>> -> memref<20x64xf32, #tpu.memory_space<hbm>>
    %dma_wait3A_1265 = arith.constant 260 : i32
    %dma_wait3A_1266 = arith.constant 0 : i32
    %dma_wait3A_1267 = tpu.memref_slice %arg11[%dma_wait3A_1265, %dma_wait3A_1266] : memref<640x64xf32, #tpu.memory_space<vmem>> -> memref<20x64xf32, #tpu.memory_space<vmem>>
    tpu.wait_dma2 semaphore(%arg14 : memref<!tpu.dma_semaphore, #tpu.memory_space<semaphore_mem>>) src(%dma_wait3A_1267 : memref<20x64xf32, #tpu.memory_space<vmem>>) dst(%dma_wait3A_1264 : memref<20x64xf32, #tpu.memory_space<hbm>>)
    %dma_wait3A_1268 = arith.constant 280 : i32
    %dma_wait3A_1269 = arith.constant 0 : i32
    %dma_wait3A_1270 = tpu.memref_slice %arg11[%dma_wait3A_1268, %dma_wait3A_1269] : memref<640x64xf32, #tpu.memory_space<vmem>> -> memref<20x64xf32, #tpu.memory_space<vmem>>
    %dma_wait3A_1271 = arith.constant 0 : i32
    %dma_wait3A_1272 = tpu.memref_slice %arg6[%add3A_913, %dma_wait3A_1271] : memref<24576x128xf32, #tpu.memory_space<hbm>> -> memref<20x64xf32, #tpu.memory_space<hbm>>
    %dma_wait3A_1273 = arith.constant 0 : i32
    %dma_wait3A_1274 = tpu.memref_slice %arg6[%add3A_913, %dma_wait3A_1273] : memref<24576x128xf32, #tpu.memory_space<hbm>> -> memref<20x64xf32, #tpu.memory_space<hbm>>
    %dma_wait3A_1275 = arith.constant 280 : i32
    %dma_wait3A_1276 = arith.constant 0 : i32
    %dma_wait3A_1277 = tpu.memref_slice %arg11[%dma_wait3A_1275, %dma_wait3A_1276] : memref<640x64xf32, #tpu.memory_space<vmem>> -> memref<20x64xf32, #tpu.memory_space<vmem>>
    tpu.wait_dma2 semaphore(%arg14 : memref<!tpu.dma_semaphore, #tpu.memory_space<semaphore_mem>>) src(%dma_wait3A_1277 : memref<20x64xf32, #tpu.memory_space<vmem>>) dst(%dma_wait3A_1274 : memref<20x64xf32, #tpu.memory_space<hbm>>)
    %dma_wait3A_1278 = arith.constant 300 : i32
    %dma_wait3A_1279 = arith.constant 0 : i32
    %dma_wait3A_1280 = tpu.memref_slice %arg11[%dma_wait3A_1278, %dma_wait3A_1279] : memref<640x64xf32, #tpu.memory_space<vmem>> -> memref<20x64xf32, #tpu.memory_space<vmem>>
    %dma_wait3A_1281 = arith.constant 0 : i32
    %dma_wait3A_1282 = tpu.memref_slice %arg6[%add3A_925, %dma_wait3A_1281] : memref<24576x128xf32, #tpu.memory_space<hbm>> -> memref<20x64xf32, #tpu.memory_space<hbm>>
    %dma_wait3A_1283 = arith.constant 0 : i32
    %dma_wait3A_1284 = tpu.memref_slice %arg6[%add3A_925, %dma_wait3A_1283] : memref<24576x128xf32, #tpu.memory_space<hbm>> -> memref<20x64xf32, #tpu.memory_space<hbm>>
    %dma_wait3A_1285 = arith.constant 300 : i32
    %dma_wait3A_1286 = arith.constant 0 : i32
    %dma_wait3A_1287 = tpu.memref_slice %arg11[%dma_wait3A_1285, %dma_wait3A_1286] : memref<640x64xf32, #tpu.memory_space<vmem>> -> memref<20x64xf32, #tpu.memory_space<vmem>>
    tpu.wait_dma2 semaphore(%arg14 : memref<!tpu.dma_semaphore, #tpu.memory_space<semaphore_mem>>) src(%dma_wait3A_1287 : memref<20x64xf32, #tpu.memory_space<vmem>>) dst(%dma_wait3A_1284 : memref<20x64xf32, #tpu.memory_space<hbm>>)
    %dma_wait3A_1288 = arith.constant 320 : i32
    %dma_wait3A_1289 = arith.constant 0 : i32
    %dma_wait3A_1290 = tpu.memref_slice %arg11[%dma_wait3A_1288, %dma_wait3A_1289] : memref<640x64xf32, #tpu.memory_space<vmem>> -> memref<20x64xf32, #tpu.memory_space<vmem>>
    %dma_wait3A_1291 = arith.constant 0 : i32
    %dma_wait3A_1292 = tpu.memref_slice %arg6[%add3A_937, %dma_wait3A_1291] : memref<24576x128xf32, #tpu.memory_space<hbm>> -> memref<20x64xf32, #tpu.memory_space<hbm>>
    %dma_wait3A_1293 = arith.constant 0 : i32
    %dma_wait3A_1294 = tpu.memref_slice %arg6[%add3A_937, %dma_wait3A_1293] : memref<24576x128xf32, #tpu.memory_space<hbm>> -> memref<20x64xf32, #tpu.memory_space<hbm>>
    %dma_wait3A_1295 = arith.constant 320 : i32
    %dma_wait3A_1296 = arith.constant 0 : i32
    %dma_wait3A_1297 = tpu.memref_slice %arg11[%dma_wait3A_1295, %dma_wait3A_1296] : memref<640x64xf32, #tpu.memory_space<vmem>> -> memref<20x64xf32, #tpu.memory_space<vmem>>
    tpu.wait_dma2 semaphore(%arg14 : memref<!tpu.dma_semaphore, #tpu.memory_space<semaphore_mem>>) src(%dma_wait3A_1297 : memref<20x64xf32, #tpu.memory_space<vmem>>) dst(%dma_wait3A_1294 : memref<20x64xf32, #tpu.memory_space<hbm>>)
    %dma_wait3A_1298 = arith.constant 340 : i32
    %dma_wait3A_1299 = arith.constant 0 : i32
    %dma_wait3A_1300 = tpu.memref_slice %arg11[%dma_wait3A_1298, %dma_wait3A_1299] : memref<640x64xf32, #tpu.memory_space<vmem>> -> memref<20x64xf32, #tpu.memory_space<vmem>>
    %dma_wait3A_1301 = arith.constant 0 : i32
    %dma_wait3A_1302 = tpu.memref_slice %arg6[%add3A_949, %dma_wait3A_1301] : memref<24576x128xf32, #tpu.memory_space<hbm>> -> memref<20x64xf32, #tpu.memory_space<hbm>>
    %dma_wait3A_1303 = arith.constant 0 : i32
    %dma_wait3A_1304 = tpu.memref_slice %arg6[%add3A_949, %dma_wait3A_1303] : memref<24576x128xf32, #tpu.memory_space<hbm>> -> memref<20x64xf32, #tpu.memory_space<hbm>>
    %dma_wait3A_1305 = arith.constant 340 : i32
    %dma_wait3A_1306 = arith.constant 0 : i32
    %dma_wait3A_1307 = tpu.memref_slice %arg11[%dma_wait3A_1305, %dma_wait3A_1306] : memref<640x64xf32, #tpu.memory_space<vmem>> -> memref<20x64xf32, #tpu.memory_space<vmem>>
    tpu.wait_dma2 semaphore(%arg14 : memref<!tpu.dma_semaphore, #tpu.memory_space<semaphore_mem>>) src(%dma_wait3A_1307 : memref<20x64xf32, #tpu.memory_space<vmem>>) dst(%dma_wait3A_1304 : memref<20x64xf32, #tpu.memory_space<hbm>>)
    %dma_wait3A_1308 = arith.constant 360 : i32
    %dma_wait3A_1309 = arith.constant 0 : i32
    %dma_wait3A_1310 = tpu.memref_slice %arg11[%dma_wait3A_1308, %dma_wait3A_1309] : memref<640x64xf32, #tpu.memory_space<vmem>> -> memref<20x64xf32, #tpu.memory_space<vmem>>
    %dma_wait3A_1311 = arith.constant 0 : i32
    %dma_wait3A_1312 = tpu.memref_slice %arg6[%add3A_961, %dma_wait3A_1311] : memref<24576x128xf32, #tpu.memory_space<hbm>> -> memref<20x64xf32, #tpu.memory_space<hbm>>
    %dma_wait3A_1313 = arith.constant 0 : i32
    %dma_wait3A_1314 = tpu.memref_slice %arg6[%add3A_961, %dma_wait3A_1313] : memref<24576x128xf32, #tpu.memory_space<hbm>> -> memref<20x64xf32, #tpu.memory_space<hbm>>
    %dma_wait3A_1315 = arith.constant 360 : i32
    %dma_wait3A_1316 = arith.constant 0 : i32
    %dma_wait3A_1317 = tpu.memref_slice %arg11[%dma_wait3A_1315, %dma_wait3A_1316] : memref<640x64xf32, #tpu.memory_space<vmem>> -> memref<20x64xf32, #tpu.memory_space<vmem>>
    tpu.wait_dma2 semaphore(%arg14 : memref<!tpu.dma_semaphore, #tpu.memory_space<semaphore_mem>>) src(%dma_wait3A_1317 : memref<20x64xf32, #tpu.memory_space<vmem>>) dst(%dma_wait3A_1314 : memref<20x64xf32, #tpu.memory_space<hbm>>)
    %dma_wait3A_1318 = arith.constant 380 : i32
    %dma_wait3A_1319 = arith.constant 0 : i32
    %dma_wait3A_1320 = tpu.memref_slice %arg11[%dma_wait3A_1318, %dma_wait3A_1319] : memref<640x64xf32, #tpu.memory_space<vmem>> -> memref<20x64xf32, #tpu.memory_space<vmem>>
    %dma_wait3A_1321 = arith.constant 0 : i32
    %dma_wait3A_1322 = tpu.memref_slice %arg6[%add3A_973, %dma_wait3A_1321] : memref<24576x128xf32, #tpu.memory_space<hbm>> -> memref<20x64xf32, #tpu.memory_space<hbm>>
    %dma_wait3A_1323 = arith.constant 0 : i32
    %dma_wait3A_1324 = tpu.memref_slice %arg6[%add3A_973, %dma_wait3A_1323] : memref<24576x128xf32, #tpu.memory_space<hbm>> -> memref<20x64xf32, #tpu.memory_space<hbm>>
    %dma_wait3A_1325 = arith.constant 380 : i32
    %dma_wait3A_1326 = arith.constant 0 : i32
    %dma_wait3A_1327 = tpu.memref_slice %arg11[%dma_wait3A_1325, %dma_wait3A_1326] : memref<640x64xf32, #tpu.memory_space<vmem>> -> memref<20x64xf32, #tpu.memory_space<vmem>>
    tpu.wait_dma2 semaphore(%arg14 : memref<!tpu.dma_semaphore, #tpu.memory_space<semaphore_mem>>) src(%dma_wait3A_1327 : memref<20x64xf32, #tpu.memory_space<vmem>>) dst(%dma_wait3A_1324 : memref<20x64xf32, #tpu.memory_space<hbm>>)
    %dma_wait3A_1328 = arith.constant 400 : i32
    %dma_wait3A_1329 = arith.constant 0 : i32
    %dma_wait3A_1330 = tpu.memref_slice %arg11[%dma_wait3A_1328, %dma_wait3A_1329] : memref<640x64xf32, #tpu.memory_space<vmem>> -> memref<20x64xf32, #tpu.memory_space<vmem>>
    %dma_wait3A_1331 = arith.constant 0 : i32
    %dma_wait3A_1332 = tpu.memref_slice %arg6[%add3A_985, %dma_wait3A_1331] : memref<24576x128xf32, #tpu.memory_space<hbm>> -> memref<20x64xf32, #tpu.memory_space<hbm>>
    %dma_wait3A_1333 = arith.constant 0 : i32
    %dma_wait3A_1334 = tpu.memref_slice %arg6[%add3A_985, %dma_wait3A_1333] : memref<24576x128xf32, #tpu.memory_space<hbm>> -> memref<20x64xf32, #tpu.memory_space<hbm>>
    %dma_wait3A_1335 = arith.constant 400 : i32
    %dma_wait3A_1336 = arith.constant 0 : i32
    %dma_wait3A_1337 = tpu.memref_slice %arg11[%dma_wait3A_1335, %dma_wait3A_1336] : memref<640x64xf32, #tpu.memory_space<vmem>> -> memref<20x64xf32, #tpu.memory_space<vmem>>
    tpu.wait_dma2 semaphore(%arg14 : memref<!tpu.dma_semaphore, #tpu.memory_space<semaphore_mem>>) src(%dma_wait3A_1337 : memref<20x64xf32, #tpu.memory_space<vmem>>) dst(%dma_wait3A_1334 : memref<20x64xf32, #tpu.memory_space<hbm>>)
    %dma_wait3A_1338 = arith.constant 420 : i32
    %dma_wait3A_1339 = arith.constant 0 : i32
    %dma_wait3A_1340 = tpu.memref_slice %arg11[%dma_wait3A_1338, %dma_wait3A_1339] : memref<640x64xf32, #tpu.memory_space<vmem>> -> memref<20x64xf32, #tpu.memory_space<vmem>>
    %dma_wait3A_1341 = arith.constant 0 : i32
    %dma_wait3A_1342 = tpu.memref_slice %arg6[%add3A_997, %dma_wait3A_1341] : memref<24576x128xf32, #tpu.memory_space<hbm>> -> memref<20x64xf32, #tpu.memory_space<hbm>>
    %dma_wait3A_1343 = arith.constant 0 : i32
    %dma_wait3A_1344 = tpu.memref_slice %arg6[%add3A_997, %dma_wait3A_1343] : memref<24576x128xf32, #tpu.memory_space<hbm>> -> memref<20x64xf32, #tpu.memory_space<hbm>>
    %dma_wait3A_1345 = arith.constant 420 : i32
    %dma_wait3A_1346 = arith.constant 0 : i32
    %dma_wait3A_1347 = tpu.memref_slice %arg11[%dma_wait3A_1345, %dma_wait3A_1346] : memref<640x64xf32, #tpu.memory_space<vmem>> -> memref<20x64xf32, #tpu.memory_space<vmem>>
    tpu.wait_dma2 semaphore(%arg14 : memref<!tpu.dma_semaphore, #tpu.memory_space<semaphore_mem>>) src(%dma_wait3A_1347 : memref<20x64xf32, #tpu.memory_space<vmem>>) dst(%dma_wait3A_1344 : memref<20x64xf32, #tpu.memory_space<hbm>>)
    %dma_wait3A_1348 = arith.constant 440 : i32
    %dma_wait3A_1349 = arith.constant 0 : i32
    %dma_wait3A_1350 = tpu.memref_slice %arg11[%dma_wait3A_1348, %dma_wait3A_1349] : memref<640x64xf32, #tpu.memory_space<vmem>> -> memref<20x64xf32, #tpu.memory_space<vmem>>
    %dma_wait3A_1351 = arith.constant 0 : i32
    %dma_wait3A_1352 = tpu.memref_slice %arg6[%add3A_1009, %dma_wait3A_1351] : memref<24576x128xf32, #tpu.memory_space<hbm>> -> memref<20x64xf32, #tpu.memory_space<hbm>>
    %dma_wait3A_1353 = arith.constant 0 : i32
    %dma_wait3A_1354 = tpu.memref_slice %arg6[%add3A_1009, %dma_wait3A_1353] : memref<24576x128xf32, #tpu.memory_space<hbm>> -> memref<20x64xf32, #tpu.memory_space<hbm>>
    %dma_wait3A_1355 = arith.constant 440 : i32
    %dma_wait3A_1356 = arith.constant 0 : i32
    %dma_wait3A_1357 = tpu.memref_slice %arg11[%dma_wait3A_1355, %dma_wait3A_1356] : memref<640x64xf32, #tpu.memory_space<vmem>> -> memref<20x64xf32, #tpu.memory_space<vmem>>
    tpu.wait_dma2 semaphore(%arg14 : memref<!tpu.dma_semaphore, #tpu.memory_space<semaphore_mem>>) src(%dma_wait3A_1357 : memref<20x64xf32, #tpu.memory_space<vmem>>) dst(%dma_wait3A_1354 : memref<20x64xf32, #tpu.memory_space<hbm>>)
    %dma_wait3A_1358 = arith.constant 460 : i32
    %dma_wait3A_1359 = arith.constant 0 : i32
    %dma_wait3A_1360 = tpu.memref_slice %arg11[%dma_wait3A_1358, %dma_wait3A_1359] : memref<640x64xf32, #tpu.memory_space<vmem>> -> memref<20x64xf32, #tpu.memory_space<vmem>>
    %dma_wait3A_1361 = arith.constant 0 : i32
    %dma_wait3A_1362 = tpu.memref_slice %arg6[%add3A_1021, %dma_wait3A_1361] : memref<24576x128xf32, #tpu.memory_space<hbm>> -> memref<20x64xf32, #tpu.memory_space<hbm>>
    %dma_wait3A_1363 = arith.constant 0 : i32
    %dma_wait3A_1364 = tpu.memref_slice %arg6[%add3A_1021, %dma_wait3A_1363] : memref<24576x128xf32, #tpu.memory_space<hbm>> -> memref<20x64xf32, #tpu.memory_space<hbm>>
    %dma_wait3A_1365 = arith.constant 460 : i32
    %dma_wait3A_1366 = arith.constant 0 : i32
    %dma_wait3A_1367 = tpu.memref_slice %arg11[%dma_wait3A_1365, %dma_wait3A_1366] : memref<640x64xf32, #tpu.memory_space<vmem>> -> memref<20x64xf32, #tpu.memory_space<vmem>>
    tpu.wait_dma2 semaphore(%arg14 : memref<!tpu.dma_semaphore, #tpu.memory_space<semaphore_mem>>) src(%dma_wait3A_1367 : memref<20x64xf32, #tpu.memory_space<vmem>>) dst(%dma_wait3A_1364 : memref<20x64xf32, #tpu.memory_space<hbm>>)
    %dma_wait3A_1368 = arith.constant 480 : i32
    %dma_wait3A_1369 = arith.constant 0 : i32
    %dma_wait3A_1370 = tpu.memref_slice %arg11[%dma_wait3A_1368, %dma_wait3A_1369] : memref<640x64xf32, #tpu.memory_space<vmem>> -> memref<20x64xf32, #tpu.memory_space<vmem>>
    %dma_wait3A_1371 = arith.constant 0 : i32
    %dma_wait3A_1372 = tpu.memref_slice %arg6[%add3A_1033, %dma_wait3A_1371] : memref<24576x128xf32, #tpu.memory_space<hbm>> -> memref<20x64xf32, #tpu.memory_space<hbm>>
    %dma_wait3A_1373 = arith.constant 0 : i32
    %dma_wait3A_1374 = tpu.memref_slice %arg6[%add3A_1033, %dma_wait3A_1373] : memref<24576x128xf32, #tpu.memory_space<hbm>> -> memref<20x64xf32, #tpu.memory_space<hbm>>
    %dma_wait3A_1375 = arith.constant 480 : i32
    %dma_wait3A_1376 = arith.constant 0 : i32
    %dma_wait3A_1377 = tpu.memref_slice %arg11[%dma_wait3A_1375, %dma_wait3A_1376] : memref<640x64xf32, #tpu.memory_space<vmem>> -> memref<20x64xf32, #tpu.memory_space<vmem>>
    tpu.wait_dma2 semaphore(%arg14 : memref<!tpu.dma_semaphore, #tpu.memory_space<semaphore_mem>>) src(%dma_wait3A_1377 : memref<20x64xf32, #tpu.memory_space<vmem>>) dst(%dma_wait3A_1374 : memref<20x64xf32, #tpu.memory_space<hbm>>)
    %dma_wait3A_1378 = arith.constant 500 : i32
    %dma_wait3A_1379 = arith.constant 0 : i32
    %dma_wait3A_1380 = tpu.memref_slice %arg11[%dma_wait3A_1378, %dma_wait3A_1379] : memref<640x64xf32, #tpu.memory_space<vmem>> -> memref<20x64xf32, #tpu.memory_space<vmem>>
    %dma_wait3A_1381 = arith.constant 0 : i32
    %dma_wait3A_1382 = tpu.memref_slice %arg6[%add3A_1045, %dma_wait3A_1381] : memref<24576x128xf32, #tpu.memory_space<hbm>> -> memref<20x64xf32, #tpu.memory_space<hbm>>
    %dma_wait3A_1383 = arith.constant 0 : i32
    %dma_wait3A_1384 = tpu.memref_slice %arg6[%add3A_1045, %dma_wait3A_1383] : memref<24576x128xf32, #tpu.memory_space<hbm>> -> memref<20x64xf32, #tpu.memory_space<hbm>>
    %dma_wait3A_1385 = arith.constant 500 : i32
    %dma_wait3A_1386 = arith.constant 0 : i32
    %dma_wait3A_1387 = tpu.memref_slice %arg11[%dma_wait3A_1385, %dma_wait3A_1386] : memref<640x64xf32, #tpu.memory_space<vmem>> -> memref<20x64xf32, #tpu.memory_space<vmem>>
    tpu.wait_dma2 semaphore(%arg14 : memref<!tpu.dma_semaphore, #tpu.memory_space<semaphore_mem>>) src(%dma_wait3A_1387 : memref<20x64xf32, #tpu.memory_space<vmem>>) dst(%dma_wait3A_1384 : memref<20x64xf32, #tpu.memory_space<hbm>>)
    %dma_wait3A_1388 = arith.constant 520 : i32
    %dma_wait3A_1389 = arith.constant 0 : i32
    %dma_wait3A_1390 = tpu.memref_slice %arg11[%dma_wait3A_1388, %dma_wait3A_1389] : memref<640x64xf32, #tpu.memory_space<vmem>> -> memref<20x64xf32, #tpu.memory_space<vmem>>
    %dma_wait3A_1391 = arith.constant 0 : i32
    %dma_wait3A_1392 = tpu.memref_slice %arg6[%add3A_1057, %dma_wait3A_1391] : memref<24576x128xf32, #tpu.memory_space<hbm>> -> memref<20x64xf32, #tpu.memory_space<hbm>>
    %dma_wait3A_1393 = arith.constant 0 : i32
    %dma_wait3A_1394 = tpu.memref_slice %arg6[%add3A_1057, %dma_wait3A_1393] : memref<24576x128xf32, #tpu.memory_space<hbm>> -> memref<20x64xf32, #tpu.memory_space<hbm>>
    %dma_wait3A_1395 = arith.constant 520 : i32
    %dma_wait3A_1396 = arith.constant 0 : i32
    %dma_wait3A_1397 = tpu.memref_slice %arg11[%dma_wait3A_1395, %dma_wait3A_1396] : memref<640x64xf32, #tpu.memory_space<vmem>> -> memref<20x64xf32, #tpu.memory_space<vmem>>
    tpu.wait_dma2 semaphore(%arg14 : memref<!tpu.dma_semaphore, #tpu.memory_space<semaphore_mem>>) src(%dma_wait3A_1397 : memref<20x64xf32, #tpu.memory_space<vmem>>) dst(%dma_wait3A_1394 : memref<20x64xf32, #tpu.memory_space<hbm>>)
    %dma_wait3A_1398 = arith.constant 540 : i32
    %dma_wait3A_1399 = arith.constant 0 : i32
    %dma_wait3A_1400 = tpu.memref_slice %arg11[%dma_wait3A_1398, %dma_wait3A_1399] : memref<640x64xf32, #tpu.memory_space<vmem>> -> memref<20x64xf32, #tpu.memory_space<vmem>>
    %dma_wait3A_1401 = arith.constant 0 : i32
    %dma_wait3A_1402 = tpu.memref_slice %arg6[%add3A_1069, %dma_wait3A_1401] : memref<24576x128xf32, #tpu.memory_space<hbm>> -> memref<20x64xf32, #tpu.memory_space<hbm>>
    %dma_wait3A_1403 = arith.constant 0 : i32
    %dma_wait3A_1404 = tpu.memref_slice %arg6[%add3A_1069, %dma_wait3A_1403] : memref<24576x128xf32, #tpu.memory_space<hbm>> -> memref<20x64xf32, #tpu.memory_space<hbm>>
    %dma_wait3A_1405 = arith.constant 540 : i32
    %dma_wait3A_1406 = arith.constant 0 : i32
    %dma_wait3A_1407 = tpu.memref_slice %arg11[%dma_wait3A_1405, %dma_wait3A_1406] : memref<640x64xf32, #tpu.memory_space<vmem>> -> memref<20x64xf32, #tpu.memory_space<vmem>>
    tpu.wait_dma2 semaphore(%arg14 : memref<!tpu.dma_semaphore, #tpu.memory_space<semaphore_mem>>) src(%dma_wait3A_1407 : memref<20x64xf32, #tpu.memory_space<vmem>>) dst(%dma_wait3A_1404 : memref<20x64xf32, #tpu.memory_space<hbm>>)
    %dma_wait3A_1408 = arith.constant 560 : i32
    %dma_wait3A_1409 = arith.constant 0 : i32
    %dma_wait3A_1410 = tpu.memref_slice %arg11[%dma_wait3A_1408, %dma_wait3A_1409] : memref<640x64xf32, #tpu.memory_space<vmem>> -> memref<20x64xf32, #tpu.memory_space<vmem>>
    %dma_wait3A_1411 = arith.constant 0 : i32
    %dma_wait3A_1412 = tpu.memref_slice %arg6[%add3A_1081, %dma_wait3A_1411] : memref<24576x128xf32, #tpu.memory_space<hbm>> -> memref<20x64xf32, #tpu.memory_space<hbm>>
    %dma_wait3A_1413 = arith.constant 0 : i32
    %dma_wait3A_1414 = tpu.memref_slice %arg6[%add3A_1081, %dma_wait3A_1413] : memref<24576x128xf32, #tpu.memory_space<hbm>> -> memref<20x64xf32, #tpu.memory_space<hbm>>
    %dma_wait3A_1415 = arith.constant 560 : i32
    %dma_wait3A_1416 = arith.constant 0 : i32
    %dma_wait3A_1417 = tpu.memref_slice %arg11[%dma_wait3A_1415, %dma_wait3A_1416] : memref<640x64xf32, #tpu.memory_space<vmem>> -> memref<20x64xf32, #tpu.memory_space<vmem>>
    tpu.wait_dma2 semaphore(%arg14 : memref<!tpu.dma_semaphore, #tpu.memory_space<semaphore_mem>>) src(%dma_wait3A_1417 : memref<20x64xf32, #tpu.memory_space<vmem>>) dst(%dma_wait3A_1414 : memref<20x64xf32, #tpu.memory_space<hbm>>)
    %dma_wait3A_1418 = arith.constant 580 : i32
    %dma_wait3A_1419 = arith.constant 0 : i32
    %dma_wait3A_1420 = tpu.memref_slice %arg11[%dma_wait3A_1418, %dma_wait3A_1419] : memref<640x64xf32, #tpu.memory_space<vmem>> -> memref<20x64xf32, #tpu.memory_space<vmem>>
    %dma_wait3A_1421 = arith.constant 0 : i32
    %dma_wait3A_1422 = tpu.memref_slice %arg6[%add3A_1093, %dma_wait3A_1421] : memref<24576x128xf32, #tpu.memory_space<hbm>> -> memref<20x64xf32, #tpu.memory_space<hbm>>
    %dma_wait3A_1423 = arith.constant 0 : i32
    %dma_wait3A_1424 = tpu.memref_slice %arg6[%add3A_1093, %dma_wait3A_1423] : memref<24576x128xf32, #tpu.memory_space<hbm>> -> memref<20x64xf32, #tpu.memory_space<hbm>>
    %dma_wait3A_1425 = arith.constant 580 : i32
    %dma_wait3A_1426 = arith.constant 0 : i32
    %dma_wait3A_1427 = tpu.memref_slice %arg11[%dma_wait3A_1425, %dma_wait3A_1426] : memref<640x64xf32, #tpu.memory_space<vmem>> -> memref<20x64xf32, #tpu.memory_space<vmem>>
    tpu.wait_dma2 semaphore(%arg14 : memref<!tpu.dma_semaphore, #tpu.memory_space<semaphore_mem>>) src(%dma_wait3A_1427 : memref<20x64xf32, #tpu.memory_space<vmem>>) dst(%dma_wait3A_1424 : memref<20x64xf32, #tpu.memory_space<hbm>>)
    %dma_wait3A_1428 = arith.constant 600 : i32
    %dma_wait3A_1429 = arith.constant 0 : i32
    %dma_wait3A_1430 = tpu.memref_slice %arg11[%dma_wait3A_1428, %dma_wait3A_1429] : memref<640x64xf32, #tpu.memory_space<vmem>> -> memref<20x64xf32, #tpu.memory_space<vmem>>
    %dma_wait3A_1431 = arith.constant 0 : i32
    %dma_wait3A_1432 = tpu.memref_slice %arg6[%add3A_1105, %dma_wait3A_1431] : memref<24576x128xf32, #tpu.memory_space<hbm>> -> memref<20x64xf32, #tpu.memory_space<hbm>>
    %dma_wait3A_1433 = arith.constant 0 : i32
    %dma_wait3A_1434 = tpu.memref_slice %arg6[%add3A_1105, %dma_wait3A_1433] : memref<24576x128xf32, #tpu.memory_space<hbm>> -> memref<20x64xf32, #tpu.memory_space<hbm>>
    %dma_wait3A_1435 = arith.constant 600 : i32
    %dma_wait3A_1436 = arith.constant 0 : i32
    %dma_wait3A_1437 = tpu.memref_slice %arg11[%dma_wait3A_1435, %dma_wait3A_1436] : memref<640x64xf32, #tpu.memory_space<vmem>> -> memref<20x64xf32, #tpu.memory_space<vmem>>
    tpu.wait_dma2 semaphore(%arg14 : memref<!tpu.dma_semaphore, #tpu.memory_space<semaphore_mem>>) src(%dma_wait3A_1437 : memref<20x64xf32, #tpu.memory_space<vmem>>) dst(%dma_wait3A_1434 : memref<20x64xf32, #tpu.memory_space<hbm>>)
    %dma_wait3A_1438 = arith.constant 620 : i32
    %dma_wait3A_1439 = arith.constant 0 : i32
    %dma_wait3A_1440 = tpu.memref_slice %arg11[%dma_wait3A_1438, %dma_wait3A_1439] : memref<640x64xf32, #tpu.memory_space<vmem>> -> memref<20x64xf32, #tpu.memory_space<vmem>>
    %dma_wait3A_1441 = arith.constant 0 : i32
    %dma_wait3A_1442 = tpu.memref_slice %arg6[%add3A_1117, %dma_wait3A_1441] : memref<24576x128xf32, #tpu.memory_space<hbm>> -> memref<20x64xf32, #tpu.memory_space<hbm>>
    %dma_wait3A_1443 = arith.constant 0 : i32
    %dma_wait3A_1444 = tpu.memref_slice %arg6[%add3A_1117, %dma_wait3A_1443] : memref<24576x128xf32, #tpu.memory_space<hbm>> -> memref<20x64xf32, #tpu.memory_space<hbm>>
    %dma_wait3A_1445 = arith.constant 620 : i32
    %dma_wait3A_1446 = arith.constant 0 : i32
    %dma_wait3A_1447 = tpu.memref_slice %arg11[%dma_wait3A_1445, %dma_wait3A_1446] : memref<640x64xf32, #tpu.memory_space<vmem>> -> memref<20x64xf32, #tpu.memory_space<vmem>>
    tpu.wait_dma2 semaphore(%arg14 : memref<!tpu.dma_semaphore, #tpu.memory_space<semaphore_mem>>) src(%dma_wait3A_1447 : memref<20x64xf32, #tpu.memory_space<vmem>>) dst(%dma_wait3A_1444 : memref<20x64xf32, #tpu.memory_space<hbm>>)
    "tpu.trace_stop"() : () -> ()
    return
  }
}

</mosaic_0001>

<sc_bundles>
// kernel: kernel.3.cloned.1.call-start
scs
__scs_entry_jumppad:
0x0: {  	(pc) =	sbr.rel $0x88, $3  }
0x1: {  	(tag) =	ssettag $0x0;
	lr =	simm.s32 $0x1  }
0x2: {  	[smem:$0x3F9C] =	sst lr;
	_ =	strace $0xD0000000  }
0x3: {  	_ = 	snop  }
0x4: {  	_ = 	snop  }
0x5: {  	_ = 	snop  }
0x6: {  	_ = 	snop  }
0x7: {  	_ = 	snop  }
__scs_overlays_trampoline_lowered:
0x8: {  	[smem:$0x3FAB] =	sst s0  }
0x9: {  	[smem:$0x3FAC] =	sst s1  }
0xa: {  	[smem:$0x3FAD] =	sst s2  }
0xb: {  	[smem:$0x3FAE] =	sst s3  }
0xc: {  	[smem:$0x3FAF] =	sst s4  }
0xd: {  	[smem:$0x3FB0] =	sst s5  }
0xe: {  	[smem:$0x3FB1] =	sst s6  }
0xf: {  	[smem:$0x3FB2] =	sst s7  }
0x10: {  	[smem:$0x3FB3] =	sst s8  }
0x11: {  	[smem:$0x3FB4] =	sst s9;
	s0 =	simm.s32 @!p0 $0x0  }
0x12: {  	s1 =	sld [smem:$0x3F9A];
	s0 =	simm.s32 @p0 $0x1  }
0x13: {  	[smem:$0x3FB5] =	sst s0;
	s0 =	simm.s32 @!p1 $0x0  }
0x14: {  	s2 =	sld [smem:$0x3F99];
	s0 =	simm.s32 @p1 $0x1  }
0x15: {  	[smem:$0x3FB6] =	sst s0;
	s0 =	simm.s32 @!p2 $0x0  }
0x16: {  	s3 =	sld [smem:$0x3FDB];
	s0 =	simm.s32 @p2 $0x1  }
0x17: {  	s4 =	simm.s32 $0x1BF5;
	[smem:$0x3FB8] =	sst s0  }
0x18: {  	s0 =	sld [smem:$0x3F9B];
	_ =	swait.ge [sflag:s4], $0x0  }
0x19: {  	s7 =	sld [smem:$0x3F9C]  }
0x1a: {  	s8 =	sadd.s32 $0xFFFFE003, lr  }
0x1b: {  	s9 =	sadd.s32 $0xFFFFFEF7, lr;
	s5 =	simm.s32 $0xFFFFFFFF;
	p2 =	slt.u32 s8, $0xFFFFF086  }
0x1c: {  	p1 =	slt.u32 s9, $0xF7A;
	s5 =	simm.s32 @!p2 $0x0  }
0x1d: {  	s5 =	simm.s32 @p1 $0x1;
	p0 =	seq.s32 s7, s2  }
0x1e: {  	s7 =	smul.u32 @!p0 $0xF7A, s2;
	p2 =	seq.s32 @!p0 s5, $0x0  }
0x1f: {  	s9 =	smul.u32 $0xF7A, s1;
	s8 =	simm.s32 @!p0 $0x1BF5;
	p2 =	por !p2, p0  }
0x20: {  	[sflag:s8] =	ssyncset.s32 @!p0 $0xFFFFF086;
	s6 =	sadd.s32 @!p0 s3, s7;
	s7 =	simm.s32 @!p0 $0x108  }
0x21: {  	s3 =	sadd.s32 s3, s9;
	s6 =	sadd.s32 @!p0 $0x88, s6;
	s7 =	simm.s32 @p2 $0x1082  }
0x22: {  	[simem:s7], [sflag:s8] =	dma.local @!p0 [hbm:s6], $0xF7A  }
0x23: {  	s9 =	sor.u32 $0xD0000000, s2;
	s6 =	simm.s32 $0x108;
	_ =	swait.ge @!p0 [sflag:s8], $0x0  }
0x24: {  	s3 =	sadd.s32 $0x88, s3;
	s6 =	simm.s32 @!p1 $0x1082;
	[sflag:s4] =	ssyncset.s32 $0xFFFFF086  }
0x25: {  	[simem:s6], [sflag:s4] =	dma.local [hbm:s3], $0xF7A  }
0x26: {  	[smem:$0x3F9C] =	sst s1;
	(tag) =	ssettag s2;
	_ =	strace s9  }
0x27: {  	s1 =	sld [smem:$0x3FAC]  }
0x28: {  	s2 =	sld [smem:$0x3FAD]  }
0x29: {  	s4 =	sld [smem:$0x3FAF]  }
0x2a: {  	p0 =	seq.s32 s5, $0x0;
	s5 =	sld [smem:$0x3FB0]  }
0x2b: {  	s6 =	sld [smem:$0x3FB1]  }
0x2c: {  	s7 =	sld [smem:$0x3FB2]  }
0x2d: {  	s3 =	simm.s32 $0x108;
	s8 =	sld [smem:$0x3FB3]  }
0x2e: {  	s3 =	simm.s32 @!p0 $0x1082;
	s9 =	sld [smem:$0x3FB4]  }
0x2f: {  	lr =	sadd.s32 s0, s3;
	s0 =	sld [smem:$0x3FAB]  }
0x30: {  	s3 =	sld [smem:$0x3FAE]  }
0x31: {  	[smem:$0x3FB7] =	sst s10  }
0x32: {  	s10 =	sld [smem:$0x3FB5];
	_ =	sdelay $0x3  }
0x33: {  	p0 =	seq.s32 s10, $0x1;
	s10 =	sld [smem:$0x3FB7];
	_ =	sdelay $0x3  }
0x34: {  	[smem:$0x3FB7] =	sst s10  }
0x35: {  	s10 =	sld [smem:$0x3FB6];
	_ =	sdelay $0x3  }
0x36: {  	p1 =	seq.s32 s10, $0x1;
	s10 =	sld [smem:$0x3FB7];
	_ =	sdelay $0x3  }
0x37: {  	[smem:$0x3FB7] =	sst s10  }
0x38: {  	s10 =	sld [smem:$0x3FB8]  }
0x39: {  	_ = 	snop;
	(pc) =	sbr.ind lr, $3  }
0x3a: {  	_ = 	snop  }
0x3b: {  	_ = 	snop  }
0x3c: {  	p2 =	seq.s32 s10, $0x1;
	s10 =	sld [smem:$0x3FB7]  }
0x3d: {  	_ =	shalt  }
0x3e: {  	_ =	shalt  }
0x3f: {  	_ =	shalt  }
0x40: {  	_ =	shalt  }
0x41: {  	_ =	shalt  }
0x42: {  	_ =	shalt  }
0x43: {  	_ =	shalt  }
0x44: {  	_ =	shalt  }
0x45: {  	_ =	shalt  }
0x46: {  	_ =	shalt  }
0x47: {  	_ =	shalt  }
0x48: {  	_ =	shalt  }
0x49: {  	_ =	shalt  }
0x4a: {  	_ =	shalt  }
0x4b: {  	_ =	shalt  }
0x4c: {  	_ =	shalt  }
0x4d: {  	_ =	shalt  }
0x4e: {  	_ =	shalt  }
0x4f: {  	_ =	shalt  }
0x50: {  	_ =	shalt  }
0x51: {  	_ =	shalt  }
0x52: {  	_ =	shalt  }
0x53: {  	_ =	shalt  }
0x54: {  	_ =	shalt  }
0x55: {  	_ =	shalt  }
0x56: {  	_ =	shalt  }
0x57: {  	_ =	shalt  }
0x58: {  	_ =	shalt  }
0x59: {  	_ =	shalt  }
0x5a: {  	_ =	shalt  }
0x5b: {  	_ =	shalt  }
0x5c: {  	_ =	shalt  }
0x5d: {  	_ =	shalt  }
0x5e: {  	_ =	shalt  }
0x5f: {  	_ =	shalt  }
0x60: {  	_ =	shalt  }
0x61: {  	_ =	shalt  }
0x62: {  	_ =	shalt  }
0x63: {  	_ =	shalt  }
0x64: {  	_ =	shalt  }
0x65: {  	_ =	shalt  }
0x66: {  	_ =	shalt  }
0x67: {  	_ =	shalt  }
0x68: {  	_ =	shalt  }
0x69: {  	_ =	shalt  }
0x6a: {  	_ =	shalt  }
0x6b: {  	_ =	shalt  }
0x6c: {  	_ =	shalt  }
0x6d: {  	_ =	shalt  }
0x6e: {  	_ =	shalt  }
0x6f: {  	_ =	shalt  }
0x70: {  	_ =	shalt  }
0x71: {  	_ =	shalt  }
0x72: {  	_ =	shalt  }
0x73: {  	_ =	shalt  }
0x74: {  	_ =	shalt  }
0x75: {  	_ =	shalt  }
0x76: {  	_ =	shalt  }
0x77: {  	_ =	shalt  }
0x78: {  	_ =	shalt  }
0x79: {  	_ =	shalt  }
0x7a: {  	_ =	shalt  }
0x7b: {  	_ =	shalt  }
0x7c: {  	_ =	shalt  }
0x7d: {  	_ =	shalt  }
0x7e: {  	_ =	shalt  }
0x7f: {  	_ =	shalt  }
0x80: {  	_ =	shalt  }
0x81: {  	_ =	shalt  }
0x82: {  	_ =	shalt  }
0x83: {  	_ =	shalt  }
0x84: {  	_ =	shalt  }
0x85: {  	_ =	shalt  }
0x86: {  	_ =	shalt  }
0x87: {  	_ =	shalt  }
.Lfunc_end0:
.L_simem_size_0:
called_computation_lowered:
.L_overlay_start_0:
0x88: {  	s2 =	sld [smem:$0x3FD9]  }
0x89: {  	s3 =	sld [smem:$0x3FFE];
	_ =	sdelay $0x1  }
0x8a: {  	s1 =	srdreg.scid  }
0x8b: {  	s0 =	sand.u32 $0x1, s1  }
0x8c: {  	s17 =	sshll.u32 s0, $0xA;
	s2 =	sadd.s32 s3, s2  }
0x8d: {  	s2 =	sadd.s32 s2, s17  }
0x8e: {  	[smem:$0x3FC3] =	sst s2  }
0x8f: {  	_ = 	snop  }
0x90: {  	s2 =	sld [smem:$0x3FC6]  }
0x91: {  	s18 =	sld [smem:$0x3FC5]  }
0x92: {  	s4 =	sld [smem:$0x3FD0];
	(tm) =	ssettm $0x1  }
0x93: {  	s5 =	sld [smem:$0x3FFB];
	_ =	sdelay $0x3  }
0x94: {  	_ =	strace s5  }
0x95: {  	s5 =	sld [smem:$0x3FFC];
	_ =	sdelay $0x3  }
0x96: {  	_ =	strace s5  }
0x97: {  	s5 =	sld [smem:$0x3FFD];
	_ =	sdelay $0x3  }
0x98: {  	_ =	strace s5  }
0x99: {  	_ =	strace $0x8FFFFFFF  }
0x9a: {  	s19 =	sld [smem:$0x3FDB];
	_ =	sdelay $0x1  }
0x9b: {  	s6 =	simm.s32 $_scs_section_size  }
0x9c: {  	s7 =	simm.s32 $_size__tile_overlayer_lowered;
	s8 =	simm.s32 $_tile_overlayer_lowered  }
0x9d: {  	s22 =	simm.s32 $0x1BFF;
	s21 =	sshll.u32 s8, $0x1;
	s5 =	sadd.s32 s6, s19  }
0x9e: {  	s9 =	simm.s32 $0x0;
	s20 =	sshll.u32 s7, $0x1;
	s7 =	sadd.s32 s21, s5  }
0x9f: {  	[timem:s9], [sflag:s22] =	dma.local [hbm:s7], s20  }
0xa0: {  	_ =	swait.ge [sflag:s22], s20  }
0xa1: {  	s6 =	ssub.s32 $0x0, s20;
	[sflag:s22] =	ssyncset.done $0x0  }
0xa2: {  	[sflag:s22] =	ssyncadd.s32 s6;
	_ =	sdelay $0x1  }
0xa3: {  	s23 =	simm.s32 $0x1B8B  }
0xa4: {  	_ =	swait.ge [sflag:s23], $0x1  }
0xa5: {  	[sflag:s23] =	ssyncset.done $0x0  }
0xa6: {  	s25 =	simm.s32 $0x1B8E;
	s24 =	sld [smem:$0x3FFE];
	[sflag:s23] =	ssyncadd.s32 $0xFFFFFFFF  }
0xa7: {  	s26 =	simm.s32 $execute0_lowered;
	[smem:$0x3FD2] =	sst s25  }
0xa8: {  	s7 =	sshll.u32 s26, $0x1;
	_ =	strace $0x80000046;
	[dreg:$0x1] =	wrdreg $0xFFFFFFFF  }
0xa9: {  	s28 =	simm.s32 $_size_execute0_lowered;
	s5 =	sadd.s32 s5, s7;
	[dreg:$0x0] =	wrdreg $0x0  }
0xaa: {  	s7 =	sshll.u32 s28, $0x1;
	[dreg:$0x2] =	wrdreg s5  }
0xab: {  	[dreg:$0x3] =	wrdreg s7  }
0xac: {  	[dreg:$0x4] =	wrdreg $0xC0  }
0xad: {  	_ =	task [dreg:s9], $0x5FFFF  }
0xae: {  	[dreg:$0x1] =	wrdreg $0xFFFFFFFF  }
0xaf: {  	[dreg:$0x0] =	wrdreg $0x60  }
0xb0: {  	[dreg:$0x2] =	wrdreg s24  }
0xb1: {  	[dreg:$0x3] =	wrdreg s2  }
0xb2: {  	[dreg:$0x4] =	wrdreg s18  }
0xb3: {  	[dreg:$0x5] =	wrdreg s4  }
0xb4: {  	[dreg:$0x6] =	wrdreg $0x9  }
0xb5: {  	_ =	task.clear_ibuf [dreg:s9], $0x7FFFF;
	_ =	strace $0x90000046  }
0xb6: {  	s29 =	simm.s32 $0x9;
	_ =	strace $0x8000004C  }
0xb7: {  	_ =	swait.ge [sflag:s29], $0x1  }
0xb8: {  	[sflag:s29] =	ssyncadd.s32 $0xFFFFFFFF  }
0xb9: {  	_ =	strace $0x9000004C  }
0xba: {  	_ =	sfence  }
0xbb: {  	s30 =	sld [smem:$0x0];
	_ =	sdelay $0x2  }
0xbc: {  	s31 =	sshll.u32 s1, $0xD;
	s1 =	sshrl.u32 s1, $0x2  }
0xbd: {  	s3 =	sand.u32 $0x4000, s31;
	s1 =	sadd.s32 s1, s30  }
0xbe: {  	s0 =	sor.u32 s3, s0;
	s1 =	sshll.u32 s1, $0x11  }
0xbf: {  	s0 =	sor.u32 s1, s0  }
0xc0: {  	s0 =	sadd.s32 $0x8F2B, s0  }
0xc1: {  	[sflag:s0] =	ssyncadd.remote.s32 $0x1  }
0xc2: {  	_ =	sfence.sel $0xFFFF  }
0xc3: {  	[dreg:$0x0] =	wrdreg $0xFFFFFFFF;
	(pc) =	sbr.abs _section_cstart, $3  }
0xc4: {  	[dreg:$0x1] =	wrdreg $0xFFFFFFFF  }
0xc5: {  	_ =	task.clear_ibuf [dreg:s9], $0x2FFFF;
	_ =	strace $0x9FFFFFFF  }
0xc6: {  	(tm) =	ssettm $0x7FFFFFFF  }
0xc7: {  	_ =	shalt  }
tec
execute0_lowered:
.L_overlay_start_1:
0x0: {  	(tag) =	ssettag $0x1  }
0x1: {  	s4 =	rddreg [dreg:$0x0]  }
0x2: {  	s1 =	srdreg.scid;
	s15 =	stileid.u32  }
0x3: {  	s0 =	rddreg [dreg:$0x1];
	s5 =	sand.u32 $0x1, s1;
	s16 =	sshll.u32 s15, $0x1  }
0x4: {  	s2 =	rddreg [dreg:$0x2];
	s1 =	sor.u32 s5, s16  }
0x5: {  	[dreg:$0x5] =	wrdreg s0;
	s6 =	smul.u32 $0x50, s1  }
0x6: {  	s3 =	simm.s32 $0x0;
	[dreg:$0x6] =	wrdreg s2;
	s7 =	smul.u32 $0x3000, s1  }
0x7: {  	s2 =	rddreg [dreg:$0x3];
	s8 =	sadd.s32 $0xE00, s4;
	s6 =	sadd.s32 s6, s4  }
0x8: {  	[smem:$0x7FF] =	sst s3;
	s4 =	sadd.s32 s8, s7;
	s6 =	sadd.s32 $0x400, s6  }
0x9: {  	_ =	strace $0x80000047;
	s17 =	sadd.s32 $0x180, s4;
	[dreg:$0x7] =	wrdreg s6  }
0xa: {  	s18 =	sadd.s32 $0x300, s4;
	[dreg:$0x8] =	wrdreg s17  }
0xb: {  	s19 =	sadd.s32 $0x480, s4;
	[dreg:$0x9] =	wrdreg s18  }
0xc: {  	s20 =	sadd.s32 $0x600, s4;
	[dreg:$0xa] =	wrdreg s19  }
0xd: {  	s21 =	sadd.s32 $0x780, s4;
	[dreg:$0xb] =	wrdreg s20  }
0xe: {  	s22 =	sadd.s32 $0x900, s4;
	[dreg:$0xc] =	wrdreg s21  }
0xf: {  	s24 =	smul.u32 $0x18000, s1;
	s23 =	sadd.s32 $0xA80, s4;
	[dreg:$0xd] =	wrdreg s22  }
0x10: {  	s25 =	sadd.s32 $0xC00, s4;
	[dreg:$0xe] =	wrdreg s23  }
0x11: {  	s7 =	sshrl.u32 s24, $0x3;
	s26 =	sadd.s32 $0xD80, s4;
	[dreg:$0xf] =	wrdreg s25  }
0x12: {  	s0 =	sadd.s32 $0xF00, s4;
	s7 =	sadd.s32 s8, s7;
	[dreg:$0x10] =	wrdreg s26  }
0x13: {  	[dreg:$0x11] =	wrdreg s0;
	s8 =	sadd.s32 $0x1080, s7  }
0x14: {  	s9 =	sadd.s32 $0x1200, s7;
	[dreg:$0x12] =	wrdreg s8  }
0x15: {  	s10 =	sadd.s32 $0x1380, s7;
	[dreg:$0x13] =	wrdreg s9  }
0x16: {  	s11 =	sadd.s32 $0x1500, s7;
	[dreg:$0x14] =	wrdreg s10  }
0x17: {  	s12 =	sadd.s32 $0x1680, s7;
	[dreg:$0x15] =	wrdreg s11  }
0x18: {  	s13 =	sadd.s32 $0x1800, s7;
	[dreg:$0x16] =	wrdreg s12  }
0x19: {  	s14 =	sadd.s32 $0x1980, s7;
	[dreg:$0x17] =	wrdreg s13  }
0x1a: {  	s15 =	sadd.s32 $0x1B00, s7;
	[dreg:$0x18] =	wrdreg s14  }
0x1b: {  	s16 =	sadd.s32 $0x1C80, s7;
	[dreg:$0x19] =	wrdreg s15  }
0x1c: {  	s17 =	sadd.s32 $0x1E00, s7;
	[dreg:$0x1a] =	wrdreg s16  }
0x1d: {  	s18 =	sadd.s32 $0x1F80, s7;
	[dreg:$0x1b] =	wrdreg s17  }
0x1e: {  	s19 =	sadd.s32 $0x2100, s7;
	[dreg:$0x1c] =	wrdreg s18  }
0x1f: {  	s20 =	sadd.s32 $0x2280, s7;
	[dreg:$0x1d] =	wrdreg s19  }
0x20: {  	s21 =	sadd.s32 $0x2400, s7;
	[dreg:$0x1e] =	wrdreg s20  }
0x21: {  	s22 =	sadd.s32 $0x2580, s7;
	[dreg:$0x1f] =	wrdreg s21  }
0x22: {  	s23 =	sadd.s32 $0x2700, s7;
	[smem:$0x7E1] =	sst s22  }
0x23: {  	s24 =	sadd.s32 $0x2880, s7;
	[smem:$0x7E2] =	sst s23  }
0x24: {  	s25 =	sadd.s32 $0x2A00, s7;
	[smem:$0x7E3] =	sst s24  }
0x25: {  	s26 =	sadd.s32 $0x2B80, s7;
	[smem:$0x7E4] =	sst s25  }
0x26: {  	s0 =	sadd.s32 $0x2D00, s7;
	[smem:$0x7E5] =	sst s26  }
0x27: {  	[smem:$0x7E6] =	sst s0;
	s8 =	sadd.s32 $0x2E80, s7  }
0x28: {  	s9 =	simm.s32 $0x350;
	[smem:$0x7E7] =	sst s8  }
0x29: {  	s10 =	simm.s32 $0x3D0;
	[smem:$0x7E8] =	sst s9  }
0x2a: {  	s11 =	simm.s32 $0x25D0;
	[smem:$0x7E9] =	sst s10  }
0x2b: {  	s12 =	simm.s32 $0x450;
	[smem:$0x7EA] =	sst s11  }
0x2c: {  	s13 =	simm.s32 $0x45D0;
	[smem:$0x7EB] =	sst s12  }
0x2d: {  	s14 =	simm.s32 $0x4D0;
	[smem:$0x7EC] =	sst s13  }
0x2e: {  	s15 =	simm.s32 $0x65D0;
	[smem:$0x7ED] =	sst s14  }
0x2f: {  	s16 =	simm.s32 $0x550;
	[smem:$0x7EE] =	sst s15  }
0x30: {  	s28 =	simm.s32 $0x91D0;
	s17 =	simm.s32 $0x85D0;
	[smem:$0x7EF] =	sst s16  }
0x31: {  	s29 =	simm.s32 $0x96D0;
	s18 =	simm.s32 $0xAD0;
	[smem:$0x7F0] =	sst s17  }
0x32: {  	s30 =	simm.s32 $0x9BD0;
	s19 =	simm.s32 $0xFD0;
	[smem:$0x7F1] =	sst s18  }
0x33: {  	s31 =	simm.s32 $0xA0D0;
	s20 =	simm.s32 $0x14D0;
	[smem:$0x7F2] =	sst s19  }
0x34: {  	s1 =	smul.u32 $0x64, s1;
	s22 =	simm.s32 $0x19D0;
	[smem:$0x7F3] =	sst s20  }
0x35: {  	s5 =	ssub.s32 $0x2, s5;
	s23 =	simm.s32 $0x1ED0;
	[smem:$0x7F4] =	sst s22  }
0x36: {  	v0 =	vmov s1;
	s1 =	simm.s32 $0x3;
	s24 =	simm.s32 $0x23D0;
	[smem:$0x7F5] =	sst s23  }
0x37: {  	s6 =	simm.s32 $0x280;
	s25 =	simm.s32 $0x28D0;
	[smem:$0x7F6] =	sst s24  }
0x38: {  	s21 =	sshrl.u32 s5, $0x1;
	s26 =	simm.s32 $0x2DD0;
	[smem:$0x7F7] =	sst s25  }
0x39: {  	s7 =	simm.s32 $0x2E8;
	s5 =	ssub.s32 s5, s21;
	[smem:$0x7F8] =	sst s26  }
0x3a: {  	s9 =	simm.s32 $0x32D0;
	s8 =	simm.s32 $0x1;
	s10 =	simm.s32 $0x37D0  }
0x3b: {  	s11 =	simm.s32 $0x3CD0;
	s12 =	simm.s32 $0x41D0;
	s13 =	simm.s32 $0x46D0  }
0x3c: {  	s16 =	simm.s32 $0x5AD0;
	s17 =	simm.s32 $0x5FD0;
	s18 =	simm.s32 $0x64D0  }
0x3d: {  	s19 =	simm.s32 $0x69D0;
	s20 =	simm.s32 $0x6ED0;
	s21 =	simm.s32 $0x73D0  }
0x3e: {  	s22 =	simm.s32 $0x78D0;
	s23 =	simm.s32 $0x7DD0;
	[smem:$0x7F9] =	sst s9  }
0x3f: {  	s24 =	simm.s32 $0x82D0;
	s25 =	simm.s32 $0x87D0;
	[smem:$0x7FA] =	sst s10  }
0x40: {  	s26 =	simm.s32 $0x8CD0;
	s5 =	smax.u32 s5, $0x1;
	[smem:$0x7FB] =	sst s11  }
0x41: {  	s9 =	simm.s32 $0x80;
	s10 =	simm.s32 $0x5D0;
	[smem:$0x7FC] =	sst s12  }
0x42: {  	s11 =	simm.s32 $0x2;
	s12 =	simm.s32 $0x40;
	[smem:$0x7FD] =	sst s13  }
.LBB2_1:
0x43: {  	_ =	strace $0x80000048  }
0x44: {  	s0 =	rddreg [dreg:$0x7]  }
0x45: {  	[tilespmem:s3], [sflag:$0x1] =	stream.linear.gather [hbm4b:s0+s3], $0x280, $0x200038;
	[tilespmem:$0xA5D0] =	vst v63  }
0x46: {  	s13 =	rddreg [dreg:$0x5]  }
0x47: {  	[tilespmem:s6], [sflag:$0x1] =	stream.linear.gather [hbm4b:s13+s3], $0x68, $0x200038;
	[tilespmem:$0xA5D0] =	vst v63  }
0x48: {  	s15 =	rddreg [dreg:$0x6]  }
0x49: {  	[tilespmem:s7], [sflag:$0x1] =	stream.linear.gather [hbm4b:s15+s3], $0x68, $0x200038;
	[tilespmem:$0xA5D0] =	vst v63  }
0x4a: {  	_ =	swait.ge [sflag:s8], $0x280  }
0x4b: {  	[sflag:s8] =	ssyncset.done $0x0  }
0x4c: {  	[sflag:s8] =	ssyncadd.s32 $0xFFFFFD80  }
0x4d: {  	_ =	swait.ge [sflag:s8], $0x68  }
0x4e: {  	[sflag:s8] =	ssyncset.done $0x0  }
0x4f: {  	[sflag:s8] =	ssyncadd.s32 $0xFFFFFF98  }
0x50: {  	_ =	swait.ge [sflag:s8], $0x68  }
0x51: {  	[sflag:s8] =	ssyncset.done $0x0  }
0x52: {  	[sflag:s8] =	ssyncadd.s32 $0xFFFFFF98  }
0x53: {  	_ =	strace $0x90000048  }
0x54: {  	_ =	strace $0x80000049  }
0x55: {  	v1 =	vld [tilespmem:$0x0];
	_ =	sdelay $0x6  }
0x56: {  	v3 =	vld [tilespmem:$0x10]  }
0x57: {  	v2 =	vld.idx.msk [tilespmem:v1+s6+$0x0], $0xffff  }
0x58: {  	v1 =	vld.idx.msk [tilespmem:v1+s7+$0x0], $0xffff;
	_ =	sdelay $0x3  }
0x59: {  	v2 =	vmul.u32 $0x32, v2  }
0x5a: {  	v1 =	vadd.s32 v0, v1  }
0x5b: {  	v1 =	vadd.s32 v2, v1  }
0x5c: {  	[tilespmem:$0x350] =	vst v1  }
0x5d: {  	v1 =	vld.idx.msk [tilespmem:v3+s6+$0x0], $0xffff  }
0x5e: {  	v2 =	vld.idx.msk [tilespmem:v3+s7+$0x0], $0xffff  }
0x5f: {  	v3 =	vld [tilespmem:$0x20];
	_ =	sdelay $0x3  }
0x60: {  	v1 =	vmul.u32 $0x32, v1  }
0x61: {  	v2 =	vadd.s32 v0, v2  }
0x62: {  	v1 =	vadd.s32 v1, v2  }
0x63: {  	[tilespmem:$0x360] =	vst v1  }
0x64: {  	v1 =	vld.idx.msk [tilespmem:v3+s6+$0x0], $0xffff  }
0x65: {  	v2 =	vld.idx.msk [tilespmem:v3+s7+$0x0], $0xffff  }
0x66: {  	v3 =	vld [tilespmem:$0x30];
	_ =	sdelay $0x3  }
0x67: {  	v1 =	vmul.u32 $0x32, v1  }
0x68: {  	v2 =	vadd.s32 v0, v2  }
0x69: {  	v1 =	vadd.s32 v1, v2  }
0x6a: {  	[tilespmem:$0x370] =	vst v1  }
0x6b: {  	v1 =	vld.idx.msk [tilespmem:v3+s6+$0x0], $0xffff  }
0x6c: {  	v2 =	vld.idx.msk [tilespmem:v3+s7+$0x0], $0xffff  }
0x6d: {  	v3 =	vld [tilespmem:$0x40];
	_ =	sdelay $0x3  }
0x6e: {  	v1 =	vmul.u32 $0x32, v1  }
0x6f: {  	v2 =	vadd.s32 v0, v2  }
0x70: {  	v1 =	vadd.s32 v1, v2  }
0x71: {  	[tilespmem:$0x380] =	vst v1  }
0x72: {  	v1 =	vld.idx.msk [tilespmem:v3+s6+$0x0], $0xffff  }
0x73: {  	v2 =	vld.idx.msk [tilespmem:v3+s7+$0x0], $0xffff  }
0x74: {  	v3 =	vld [tilespmem:$0x50];
	_ =	sdelay $0x3  }
0x75: {  	v1 =	vmul.u32 $0x32, v1  }
0x76: {  	v2 =	vadd.s32 v0, v2  }
0x77: {  	v1 =	vadd.s32 v1, v2  }
0x78: {  	[tilespmem:$0x390] =	vst v1  }
0x79: {  	v1 =	vld.idx.msk [tilespmem:v3+s6+$0x0], $0xffff  }
0x7a: {  	v2 =	vld.idx.msk [tilespmem:v3+s7+$0x0], $0xffff  }
0x7b: {  	v3 =	vld [tilespmem:$0x60];
	_ =	sdelay $0x3  }
0x7c: {  	v1 =	vmul.u32 $0x32, v1  }
0x7d: {  	v2 =	vadd.s32 v0, v2  }
0x7e: {  	v1 =	vadd.s32 v1, v2  }
0x7f: {  	[tilespmem:$0x3A0] =	vst v1  }
0x80: {  	v1 =	vld.idx.msk [tilespmem:v3+s6+$0x0], $0xffff  }
0x81: {  	v2 =	vld.idx.msk [tilespmem:v3+s7+$0x0], $0xffff  }
0x82: {  	v3 =	vld [tilespmem:$0x70];
	_ =	sdelay $0x3  }
0x83: {  	v1 =	vmul.u32 $0x32, v1  }
0x84: {  	v2 =	vadd.s32 v0, v2  }
0x85: {  	v1 =	vadd.s32 v1, v2  }
0x86: {  	[tilespmem:$0x3B0] =	vst v1  }
0x87: {  	v1 =	vld.idx.msk [tilespmem:v3+s6+$0x0], $0xffff  }
0x88: {  	v2 =	vld.idx.msk [tilespmem:v3+s7+$0x0], $0xffff;
	_ =	sdelay $0x3  }
0x89: {  	v1 =	vmul.u32 $0x32, v1  }
0x8a: {  	s13 =	sld [smem:$0x7E8];
	v2 =	vadd.s32 v0, v2  }
0x8b: {  	v1 =	vadd.s32 v1, v2  }
0x8c: {  	[tilespmem:$0x3C0] =	vst v1  }
0x8d: {  	[tilespmem:s10], [sflag:$0x2] =	stream.indirect.gather [hbm4b:s2+s9], $0x40, s13, s9, $0x2000b8;
	[tilespmem:$0xA5D0] =	vst v63  }
0x8e: {  	v1 =	vld [tilespmem:$0x80];
	_ =	sdelay $0x6  }
0x8f: {  	v3 =	vld [tilespmem:$0x90]  }
0x90: {  	v2 =	vld.idx.msk [tilespmem:v1+s6+$0x0], $0xffff  }
0x91: {  	v1 =	vld.idx.msk [tilespmem:v1+s7+$0x0], $0xffff;
	_ =	sdelay $0x3  }
0x92: {  	v2 =	vmul.u32 $0x32, v2  }
0x93: {  	v1 =	vadd.s32 v0, v1  }
0x94: {  	v1 =	vadd.s32 v2, v1  }
0x95: {  	[tilespmem:$0x3D0] =	vst v1  }
0x96: {  	v1 =	vld.idx.msk [tilespmem:v3+s6+$0x0], $0xffff  }
0x97: {  	v2 =	vld.idx.msk [tilespmem:v3+s7+$0x0], $0xffff  }
0x98: {  	v3 =	vld [tilespmem:$0xA0];
	_ =	sdelay $0x3  }
0x99: {  	v1 =	vmul.u32 $0x32, v1  }
0x9a: {  	v2 =	vadd.s32 v0, v2  }
0x9b: {  	v1 =	vadd.s32 v1, v2  }
0x9c: {  	[tilespmem:$0x3E0] =	vst v1  }
0x9d: {  	v1 =	vld.idx.msk [tilespmem:v3+s6+$0x0], $0xffff  }
0x9e: {  	v2 =	vld.idx.msk [tilespmem:v3+s7+$0x0], $0xffff  }
0x9f: {  	v3 =	vld [tilespmem:$0xB0];
	_ =	sdelay $0x3  }
0xa0: {  	v1 =	vmul.u32 $0x32, v1  }
0xa1: {  	v2 =	vadd.s32 v0, v2  }
0xa2: {  	v1 =	vadd.s32 v1, v2  }
0xa3: {  	[tilespmem:$0x3F0] =	vst v1  }
0xa4: {  	v1 =	vld.idx.msk [tilespmem:v3+s6+$0x0], $0xffff  }
0xa5: {  	v2 =	vld.idx.msk [tilespmem:v3+s7+$0x0], $0xffff  }
0xa6: {  	v3 =	vld [tilespmem:$0xC0];
	_ =	sdelay $0x3  }
0xa7: {  	v1 =	vmul.u32 $0x32, v1  }
0xa8: {  	v2 =	vadd.s32 v0, v2  }
0xa9: {  	v1 =	vadd.s32 v1, v2  }
0xaa: {  	[tilespmem:$0x400] =	vst v1  }
0xab: {  	v1 =	vld.idx.msk [tilespmem:v3+s6+$0x0], $0xffff  }
0xac: {  	v2 =	vld.idx.msk [tilespmem:v3+s7+$0x0], $0xffff  }
0xad: {  	v3 =	vld [tilespmem:$0xD0];
	_ =	sdelay $0x3  }
0xae: {  	v1 =	vmul.u32 $0x32, v1  }
0xaf: {  	v2 =	vadd.s32 v0, v2  }
0xb0: {  	v1 =	vadd.s32 v1, v2  }
0xb1: {  	[tilespmem:$0x410] =	vst v1  }
0xb2: {  	v1 =	vld.idx.msk [tilespmem:v3+s6+$0x0], $0xffff  }
0xb3: {  	v2 =	vld.idx.msk [tilespmem:v3+s7+$0x0], $0xffff  }
0xb4: {  	v3 =	vld [tilespmem:$0xE0];
	_ =	sdelay $0x3  }
0xb5: {  	v1 =	vmul.u32 $0x32, v1  }
0xb6: {  	v2 =	vadd.s32 v0, v2  }
0xb7: {  	v1 =	vadd.s32 v1, v2  }
0xb8: {  	[tilespmem:$0x420] =	vst v1  }
0xb9: {  	v1 =	vld.idx.msk [tilespmem:v3+s6+$0x0], $0xffff  }
0xba: {  	v2 =	vld.idx.msk [tilespmem:v3+s7+$0x0], $0xffff  }
0xbb: {  	v3 =	vld [tilespmem:$0xF0];
	_ =	sdelay $0x3  }
0xbc: {  	v1 =	vmul.u32 $0x32, v1  }
0xbd: {  	v2 =	vadd.s32 v0, v2  }
0xbe: {  	v1 =	vadd.s32 v1, v2  }
0xbf: {  	[tilespmem:$0x430] =	vst v1  }
0xc0: {  	v1 =	vld.idx.msk [tilespmem:v3+s6+$0x0], $0xffff  }
0xc1: {  	v2 =	vld.idx.msk [tilespmem:v3+s7+$0x0], $0xffff;
	_ =	sdelay $0x3  }
0xc2: {  	s14 =	sld [smem:$0x7E9];
	v1 =	vmul.u32 $0x32, v1  }
0xc3: {  	s15 =	sld [smem:$0x7EA];
	v2 =	vadd.s32 v0, v2  }
0xc4: {  	v1 =	vadd.s32 v1, v2  }
0xc5: {  	[tilespmem:$0x440] =	vst v1  }
0xc6: {  	[tilespmem:s15], [sflag:$0x2] =	stream.indirect.gather [hbm4b:s2+s9], $0x40, s14, s9, $0x2000b8;
	[tilespmem:$0xA5D0] =	vst v63  }
0xc7: {  	v1 =	vld [tilespmem:$0x100];
	_ =	sdelay $0x6  }
0xc8: {  	v3 =	vld [tilespmem:$0x110]  }
0xc9: {  	v2 =	vld.idx.msk [tilespmem:v1+s6+$0x0], $0xffff  }
0xca: {  	v1 =	vld.idx.msk [tilespmem:v1+s7+$0x0], $0xffff;
	_ =	sdelay $0x3  }
0xcb: {  	v2 =	vmul.u32 $0x32, v2  }
0xcc: {  	v1 =	vadd.s32 v0, v1  }
0xcd: {  	v1 =	vadd.s32 v2, v1  }
0xce: {  	[tilespmem:$0x450] =	vst v1  }
0xcf: {  	v1 =	vld.idx.msk [tilespmem:v3+s6+$0x0], $0xffff  }
0xd0: {  	v2 =	vld.idx.msk [tilespmem:v3+s7+$0x0], $0xffff  }
0xd1: {  	v3 =	vld [tilespmem:$0x120];
	_ =	sdelay $0x3  }
0xd2: {  	v1 =	vmul.u32 $0x32, v1  }
0xd3: {  	v2 =	vadd.s32 v0, v2  }
0xd4: {  	v1 =	vadd.s32 v1, v2  }
0xd5: {  	[tilespmem:$0x460] =	vst v1  }
0xd6: {  	v1 =	vld.idx.msk [tilespmem:v3+s6+$0x0], $0xffff  }
0xd7: {  	v2 =	vld.idx.msk [tilespmem:v3+s7+$0x0], $0xffff  }
0xd8: {  	v3 =	vld [tilespmem:$0x130];
	_ =	sdelay $0x3  }
0xd9: {  	v1 =	vmul.u32 $0x32, v1  }
0xda: {  	v2 =	vadd.s32 v0, v2  }
0xdb: {  	v1 =	vadd.s32 v1, v2  }
0xdc: {  	[tilespmem:$0x470] =	vst v1  }
0xdd: {  	v1 =	vld.idx.msk [tilespmem:v3+s6+$0x0], $0xffff  }
0xde: {  	v2 =	vld.idx.msk [tilespmem:v3+s7+$0x0], $0xffff  }
0xdf: {  	v3 =	vld [tilespmem:$0x140];
	_ =	sdelay $0x3  }
0xe0: {  	v1 =	vmul.u32 $0x32, v1  }
0xe1: {  	v2 =	vadd.s32 v0, v2  }
0xe2: {  	v1 =	vadd.s32 v1, v2  }
0xe3: {  	[tilespmem:$0x480] =	vst v1  }
0xe4: {  	v1 =	vld.idx.msk [tilespmem:v3+s6+$0x0], $0xffff  }
0xe5: {  	v2 =	vld.idx.msk [tilespmem:v3+s7+$0x0], $0xffff  }
0xe6: {  	v3 =	vld [tilespmem:$0x150];
	_ =	sdelay $0x3  }
0xe7: {  	v1 =	vmul.u32 $0x32, v1  }
0xe8: {  	v2 =	vadd.s32 v0, v2  }
0xe9: {  	v1 =	vadd.s32 v1, v2  }
0xea: {  	[tilespmem:$0x490] =	vst v1  }
0xeb: {  	v1 =	vld.idx.msk [tilespmem:v3+s6+$0x0], $0xffff  }
0xec: {  	v2 =	vld.idx.msk [tilespmem:v3+s7+$0x0], $0xffff  }
0xed: {  	v3 =	vld [tilespmem:$0x160];
	_ =	sdelay $0x3  }
0xee: {  	v1 =	vmul.u32 $0x32, v1  }
0xef: {  	v2 =	vadd.s32 v0, v2  }
0xf0: {  	v1 =	vadd.s32 v1, v2  }
0xf1: {  	[tilespmem:$0x4A0] =	vst v1  }
0xf2: {  	v1 =	vld.idx.msk [tilespmem:v3+s6+$0x0], $0xffff  }
0xf3: {  	v2 =	vld.idx.msk [tilespmem:v3+s7+$0x0], $0xffff  }
0xf4: {  	v3 =	vld [tilespmem:$0x170];
	_ =	sdelay $0x3  }
0xf5: {  	v1 =	vmul.u32 $0x32, v1  }
0xf6: {  	v2 =	vadd.s32 v0, v2  }
0xf7: {  	v1 =	vadd.s32 v1, v2  }
0xf8: {  	[tilespmem:$0x4B0] =	vst v1  }
0xf9: {  	v1 =	vld.idx.msk [tilespmem:v3+s6+$0x0], $0xffff  }
0xfa: {  	v2 =	vld.idx.msk [tilespmem:v3+s7+$0x0], $0xffff;
	_ =	sdelay $0x3  }
0xfb: {  	s14 =	sld [smem:$0x7EB];
	v1 =	vmul.u32 $0x32, v1  }
0xfc: {  	s15 =	sld [smem:$0x7EC];
	v2 =	vadd.s32 v0, v2  }
0xfd: {  	v1 =	vadd.s32 v1, v2  }
0xfe: {  	[tilespmem:$0x4C0] =	vst v1  }
0xff: {  	[tilespmem:s15], [sflag:$0x2] =	stream.indirect.gather [hbm4b:s2+s9], $0x40, s14, s9, $0x2000b8;
	[tilespmem:$0xA5D0] =	vst v63  }
0x100: {  	v1 =	vld [tilespmem:$0x180];
	_ =	sdelay $0x6  }
0x101: {  	v3 =	vld [tilespmem:$0x190]  }
0x102: {  	v2 =	vld.idx.msk [tilespmem:v1+s6+$0x0], $0xffff  }
0x103: {  	v1 =	vld.idx.msk [tilespmem:v1+s7+$0x0], $0xffff;
	_ =	sdelay $0x3  }
0x104: {  	v2 =	vmul.u32 $0x32, v2  }
0x105: {  	v1 =	vadd.s32 v0, v1  }
0x106: {  	v1 =	vadd.s32 v2, v1  }
0x107: {  	[tilespmem:$0x4D0] =	vst v1  }
0x108: {  	v1 =	vld.idx.msk [tilespmem:v3+s6+$0x0], $0xffff  }
0x109: {  	v2 =	vld.idx.msk [tilespmem:v3+s7+$0x0], $0xffff  }
0x10a: {  	v3 =	vld [tilespmem:$0x1A0];
	_ =	sdelay $0x3  }
0x10b: {  	v1 =	vmul.u32 $0x32, v1  }
0x10c: {  	v2 =	vadd.s32 v0, v2  }
0x10d: {  	v1 =	vadd.s32 v1, v2  }
0x10e: {  	[tilespmem:$0x4E0] =	vst v1  }
0x10f: {  	v1 =	vld.idx.msk [tilespmem:v3+s6+$0x0], $0xffff  }
0x110: {  	v2 =	vld.idx.msk [tilespmem:v3+s7+$0x0], $0xffff  }
0x111: {  	v3 =	vld [tilespmem:$0x1B0];
	_ =	sdelay $0x3  }
0x112: {  	v1 =	vmul.u32 $0x32, v1  }
0x113: {  	v2 =	vadd.s32 v0, v2  }
0x114: {  	v1 =	vadd.s32 v1, v2  }
0x115: {  	[tilespmem:$0x4F0] =	vst v1  }
0x116: {  	v1 =	vld.idx.msk [tilespmem:v3+s6+$0x0], $0xffff  }
0x117: {  	v2 =	vld.idx.msk [tilespmem:v3+s7+$0x0], $0xffff  }
0x118: {  	v3 =	vld [tilespmem:$0x1C0];
	_ =	sdelay $0x3  }
0x119: {  	v1 =	vmul.u32 $0x32, v1  }
0x11a: {  	v2 =	vadd.s32 v0, v2  }
0x11b: {  	v1 =	vadd.s32 v1, v2  }
0x11c: {  	[tilespmem:$0x500] =	vst v1  }
0x11d: {  	v1 =	vld.idx.msk [tilespmem:v3+s6+$0x0], $0xffff  }
0x11e: {  	v2 =	vld.idx.msk [tilespmem:v3+s7+$0x0], $0xffff  }
0x11f: {  	v3 =	vld [tilespmem:$0x1D0];
	_ =	sdelay $0x3  }
0x120: {  	v1 =	vmul.u32 $0x32, v1  }
0x121: {  	v2 =	vadd.s32 v0, v2  }
0x122: {  	v1 =	vadd.s32 v1, v2  }
0x123: {  	[tilespmem:$0x510] =	vst v1  }
0x124: {  	v1 =	vld.idx.msk [tilespmem:v3+s6+$0x0], $0xffff  }
0x125: {  	v2 =	vld.idx.msk [tilespmem:v3+s7+$0x0], $0xffff  }
0x126: {  	v3 =	vld [tilespmem:$0x1E0];
	_ =	sdelay $0x3  }
0x127: {  	v1 =	vmul.u32 $0x32, v1  }
0x128: {  	v2 =	vadd.s32 v0, v2  }
0x129: {  	v1 =	vadd.s32 v1, v2  }
0x12a: {  	[tilespmem:$0x520] =	vst v1  }
0x12b: {  	v1 =	vld.idx.msk [tilespmem:v3+s6+$0x0], $0xffff  }
0x12c: {  	v2 =	vld.idx.msk [tilespmem:v3+s7+$0x0], $0xffff  }
0x12d: {  	v3 =	vld [tilespmem:$0x1F0];
	_ =	sdelay $0x3  }
0x12e: {  	v1 =	vmul.u32 $0x32, v1  }
0x12f: {  	v2 =	vadd.s32 v0, v2  }
0x130: {  	v1 =	vadd.s32 v1, v2  }
0x131: {  	[tilespmem:$0x530] =	vst v1  }
0x132: {  	v1 =	vld.idx.msk [tilespmem:v3+s6+$0x0], $0xffff  }
0x133: {  	v2 =	vld.idx.msk [tilespmem:v3+s7+$0x0], $0xffff;
	_ =	sdelay $0x3  }
0x134: {  	s14 =	sld [smem:$0x7ED];
	v1 =	vmul.u32 $0x32, v1  }
0x135: {  	s15 =	sld [smem:$0x7EE];
	v2 =	vadd.s32 v0, v2  }
0x136: {  	v1 =	vadd.s32 v1, v2  }
0x137: {  	[tilespmem:$0x540] =	vst v1  }
0x138: {  	[tilespmem:s15], [sflag:$0x2] =	stream.indirect.gather [hbm4b:s2+s9], $0x40, s14, s9, $0x2000b8;
	[tilespmem:$0xA5D0] =	vst v63  }
0x139: {  	v1 =	vld [tilespmem:$0x200];
	_ =	sdelay $0x6  }
0x13a: {  	v3 =	vld [tilespmem:$0x210]  }
0x13b: {  	v2 =	vld.idx.msk [tilespmem:v1+s6+$0x0], $0xffff  }
0x13c: {  	v1 =	vld.idx.msk [tilespmem:v1+s7+$0x0], $0xffff;
	_ =	sdelay $0x3  }
0x13d: {  	v2 =	vmul.u32 $0x32, v2  }
0x13e: {  	v1 =	vadd.s32 v0, v1  }
0x13f: {  	v1 =	vadd.s32 v2, v1  }
0x140: {  	[tilespmem:$0x550] =	vst v1  }
0x141: {  	v1 =	vld.idx.msk [tilespmem:v3+s6+$0x0], $0xffff  }
0x142: {  	v2 =	vld.idx.msk [tilespmem:v3+s7+$0x0], $0xffff  }
0x143: {  	v3 =	vld [tilespmem:$0x220];
	_ =	sdelay $0x3  }
0x144: {  	v1 =	vmul.u32 $0x32, v1  }
0x145: {  	v2 =	vadd.s32 v0, v2  }
0x146: {  	v1 =	vadd.s32 v1, v2  }
0x147: {  	[tilespmem:$0x560] =	vst v1  }
0x148: {  	v1 =	vld.idx.msk [tilespmem:v3+s6+$0x0], $0xffff  }
0x149: {  	v2 =	vld.idx.msk [tilespmem:v3+s7+$0x0], $0xffff  }
0x14a: {  	v3 =	vld [tilespmem:$0x230];
	_ =	sdelay $0x3  }
0x14b: {  	v1 =	vmul.u32 $0x32, v1  }
0x14c: {  	v2 =	vadd.s32 v0, v2  }
0x14d: {  	v1 =	vadd.s32 v1, v2  }
0x14e: {  	[tilespmem:$0x570] =	vst v1  }
0x14f: {  	v1 =	vld.idx.msk [tilespmem:v3+s6+$0x0], $0xffff  }
0x150: {  	v2 =	vld.idx.msk [tilespmem:v3+s7+$0x0], $0xffff  }
0x151: {  	v3 =	vld [tilespmem:$0x240];
	_ =	sdelay $0x3  }
0x152: {  	v1 =	vmul.u32 $0x32, v1  }
0x153: {  	v2 =	vadd.s32 v0, v2  }
0x154: {  	v1 =	vadd.s32 v1, v2  }
0x155: {  	[tilespmem:$0x580] =	vst v1  }
0x156: {  	v1 =	vld.idx.msk [tilespmem:v3+s6+$0x0], $0xffff  }
0x157: {  	v2 =	vld.idx.msk [tilespmem:v3+s7+$0x0], $0xffff  }
0x158: {  	v3 =	vld [tilespmem:$0x250];
	_ =	sdelay $0x3  }
0x159: {  	v1 =	vmul.u32 $0x32, v1  }
0x15a: {  	v2 =	vadd.s32 v0, v2  }
0x15b: {  	v1 =	vadd.s32 v1, v2  }
0x15c: {  	[tilespmem:$0x590] =	vst v1  }
0x15d: {  	v1 =	vld.idx.msk [tilespmem:v3+s6+$0x0], $0xffff  }
0x15e: {  	v2 =	vld.idx.msk [tilespmem:v3+s7+$0x0], $0xffff  }
0x15f: {  	v3 =	vld [tilespmem:$0x260];
	_ =	sdelay $0x3  }
0x160: {  	v1 =	vmul.u32 $0x32, v1  }
0x161: {  	v2 =	vadd.s32 v0, v2  }
0x162: {  	v1 =	vadd.s32 v1, v2  }
0x163: {  	[tilespmem:$0x5A0] =	vst v1  }
0x164: {  	v1 =	vld.idx.msk [tilespmem:v3+s6+$0x0], $0xffff  }
0x165: {  	v2 =	vld.idx.msk [tilespmem:v3+s7+$0x0], $0xffff  }
0x166: {  	v3 =	vld [tilespmem:$0x270];
	_ =	sdelay $0x3  }
0x167: {  	v1 =	vmul.u32 $0x32, v1  }
0x168: {  	v2 =	vadd.s32 v0, v2  }
0x169: {  	v1 =	vadd.s32 v1, v2  }
0x16a: {  	[tilespmem:$0x5B0] =	vst v1  }
0x16b: {  	v1 =	vld.idx.msk [tilespmem:v3+s6+$0x0], $0xffff  }
0x16c: {  	v2 =	vld.idx.msk [tilespmem:v3+s7+$0x0], $0xffff;
	_ =	sdelay $0x3  }
0x16d: {  	s14 =	sld [smem:$0x7EF];
	v1 =	vmul.u32 $0x32, v1  }
0x16e: {  	s15 =	sld [smem:$0x7F0];
	v2 =	vadd.s32 v0, v2  }
0x16f: {  	v1 =	vadd.s32 v1, v2  }
0x170: {  	[tilespmem:$0x5C0] =	vst v1  }
0x171: {  	[tilespmem:s15], [sflag:$0x2] =	stream.indirect.gather [hbm4b:s2+s9], $0x40, s14, s9, $0x2000b8;
	[tilespmem:$0xA5D0] =	vst v63  }
0x172: {  	_ =	strace $0x90000049  }
0x173: {  	_ =	strace $0x8000004A  }
0x174: {  	_ =	swait.ge [sflag:s11], $0x2000  }
0x175: {  	[sflag:s11] =	ssyncset.done $0x0  }
0x176: {  	[sflag:s11] =	ssyncadd.s32 $0xFFFFE000  }
0x177: {  	_ =	swait.ge [sflag:s11], $0x2000  }
0x178: {  	[sflag:s11] =	ssyncset.done $0x0  }
0x179: {  	[sflag:s11] =	ssyncadd.s32 $0xFFFFE000  }
0x17a: {  	_ =	swait.ge [sflag:s11], $0x2000  }
0x17b: {  	[sflag:s11] =	ssyncset.done $0x0  }
0x17c: {  	[sflag:s11] =	ssyncadd.s32 $0xFFFFE000  }
0x17d: {  	_ =	swait.ge [sflag:s11], $0x2000  }
0x17e: {  	[sflag:s11] =	ssyncset.done $0x0  }
0x17f: {  	[sflag:s11] =	ssyncadd.s32 $0xFFFFE000  }
0x180: {  	_ =	swait.ge [sflag:s11], $0x2000  }
0x181: {  	[sflag:s11] =	ssyncset.done $0x0  }
0x182: {  	[sflag:s11] =	ssyncadd.s32 $0xFFFFE000  }
0x183: {  	_ =	strace $0x9000004A  }
0x184: {  	_ =	strace $0x8000004B  }
0x185: {  	s13 =	rddreg [dreg:$0x8]  }
0x186: {  	s14 =	sld [smem:$0x7F1]  }
0x187: {  	[hbm4b:s4+s12] =	stream.strided.scatter [tilespmem:s10], [sflag:$0x3], $0x500, s9, s12, $0x200038;
	[tilespmem:$0xA5D0] =	vst v63  }
0x188: {  	s0 =	rddreg [dreg:$0x9]  }
0x189: {  	[hbm4b:s13+s12] =	stream.strided.scatter [tilespmem:s14], [sflag:$0x3], $0x500, s9, s12, $0x200038;
	[tilespmem:$0xA5D0] =	vst v63  }
0x18a: {  	s13 =	sld [smem:$0x7F2]  }
0x18b: {  	s15 =	sld [smem:$0x7F3]  }
0x18c: {  	s14 =	rddreg [dreg:$0xa]  }
0x18d: {  	[hbm4b:s0+s12] =	stream.strided.scatter [tilespmem:s13], [sflag:$0x3], $0x500, s9, s12, $0x200038;
	[tilespmem:$0xA5D0] =	vst v63  }
0x18e: {  	s0 =	rddreg [dreg:$0xb]  }
0x18f: {  	s13 =	sld [smem:$0x7F4]  }
0x190: {  	[hbm4b:s14+s12] =	stream.strided.scatter [tilespmem:s15], [sflag:$0x3], $0x500, s9, s12, $0x200038;
	[tilespmem:$0xA5D0] =	vst v63  }
0x191: {  	s14 =	rddreg [dreg:$0xc]  }
0x192: {  	s15 =	sld [smem:$0x7F5]  }
0x193: {  	[hbm4b:s0+s12] =	stream.strided.scatter [tilespmem:s13], [sflag:$0x3], $0x500, s9, s12, $0x200038;
	[tilespmem:$0xA5D0] =	vst v63  }
0x194: {  	s0 =	rddreg [dreg:$0xd]  }
0x195: {  	s13 =	sld [smem:$0x7F6]  }
0x196: {  	[hbm4b:s14+s12] =	stream.strided.scatter [tilespmem:s15], [sflag:$0x3], $0x500, s9, s12, $0x200038;
	[tilespmem:$0xA5D0] =	vst v63  }
0x197: {  	s14 =	rddreg [dreg:$0xe]  }
0x198: {  	s15 =	sld [smem:$0x7F7]  }
0x199: {  	[hbm4b:s0+s12] =	stream.strided.scatter [tilespmem:s13], [sflag:$0x3], $0x500, s9, s12, $0x200038;
	[tilespmem:$0xA5D0] =	vst v63  }
0x19a: {  	s0 =	rddreg [dreg:$0xf]  }
0x19b: {  	s13 =	sld [smem:$0x7F8]  }
0x19c: {  	[hbm4b:s14+s12] =	stream.strided.scatter [tilespmem:s15], [sflag:$0x3], $0x500, s9, s12, $0x200038;
	[tilespmem:$0xA5D0] =	vst v63  }
0x19d: {  	s14 =	rddreg [dreg:$0x10]  }
0x19e: {  	s15 =	sld [smem:$0x7F9]  }
0x19f: {  	[hbm4b:s0+s12] =	stream.strided.scatter [tilespmem:s13], [sflag:$0x3], $0x500, s9, s12, $0x200038;
	[tilespmem:$0xA5D0] =	vst v63  }
0x1a0: {  	s0 =	rddreg [dreg:$0x11]  }
0x1a1: {  	s13 =	sld [smem:$0x7FA]  }
0x1a2: {  	[hbm4b:s14+s12] =	stream.strided.scatter [tilespmem:s15], [sflag:$0x3], $0x500, s9, s12, $0x200038;
	[tilespmem:$0xA5D0] =	vst v63  }
0x1a3: {  	s14 =	rddreg [dreg:$0x12]  }
0x1a4: {  	s15 =	sld [smem:$0x7FB]  }
0x1a5: {  	[hbm4b:s0+s12] =	stream.strided.scatter [tilespmem:s13], [sflag:$0x3], $0x500, s9, s12, $0x200038;
	[tilespmem:$0xA5D0] =	vst v63  }
0x1a6: {  	s0 =	rddreg [dreg:$0x13]  }
0x1a7: {  	s13 =	sld [smem:$0x7FC]  }
0x1a8: {  	[hbm4b:s14+s12] =	stream.strided.scatter [tilespmem:s15], [sflag:$0x3], $0x500, s9, s12, $0x200038;
	[tilespmem:$0xA5D0] =	vst v63  }
0x1a9: {  	s14 =	rddreg [dreg:$0x14]  }
0x1aa: {  	s15 =	sld [smem:$0x7FD]  }
0x1ab: {  	[hbm4b:s0+s12] =	stream.strided.scatter [tilespmem:s13], [sflag:$0x3], $0x500, s9, s12, $0x200038;
	[tilespmem:$0xA5D0] =	vst v63  }
0x1ac: {  	s0 =	rddreg [dreg:$0x15]  }
0x1ad: {  	[hbm4b:s14+s12] =	stream.strided.scatter [tilespmem:s15], [sflag:$0x3], $0x500, s9, s12, $0x200038;
	[tilespmem:$0xA5D0] =	vst v63  }
0x1ae: {  	s13 =	rddreg [dreg:$0x16];
	s15 =	simm.s32 $0x4BD0  }
0x1af: {  	[hbm4b:s0+s12] =	stream.strided.scatter [tilespmem:s15], [sflag:$0x3], $0x500, s9, s12, $0x200038;
	[tilespmem:$0xA5D0] =	vst v63  }
0x1b0: {  	s14 =	rddreg [dreg:$0x19];
	s15 =	simm.s32 $0x50D0  }
0x1b1: {  	[hbm4b:s13+s12] =	stream.strided.scatter [tilespmem:s15], [sflag:$0x3], $0x500, s9, s12, $0x200038;
	[tilespmem:$0xA5D0] =	vst v63  }
0x1b2: {  	s0 =	rddreg [dreg:$0x17];
	s15 =	simm.s32 $0x55D0  }
0x1b3: {  	[hbm4b:s0+s12] =	stream.strided.scatter [tilespmem:s15], [sflag:$0x3], $0x500, s9, s12, $0x200038;
	[tilespmem:$0xA5D0] =	vst v63  }
0x1b4: {  	s13 =	rddreg [dreg:$0x18]  }
0x1b5: {  	[hbm4b:s13+s12] =	stream.strided.scatter [tilespmem:s16], [sflag:$0x3], $0x500, s9, s12, $0x200038;
	[tilespmem:$0xA5D0] =	vst v63  }
0x1b6: {  	s15 =	rddreg [dreg:$0x1a]  }
0x1b7: {  	[hbm4b:s14+s12] =	stream.strided.scatter [tilespmem:s17], [sflag:$0x3], $0x500, s9, s12, $0x200038;
	[tilespmem:$0xA5D0] =	vst v63  }
0x1b8: {  	s14 =	rddreg [dreg:$0x1b]  }
0x1b9: {  	[hbm4b:s15+s12] =	stream.strided.scatter [tilespmem:s18], [sflag:$0x3], $0x500, s9, s12, $0x200038;
	[tilespmem:$0xA5D0] =	vst v63  }
0x1ba: {  	s15 =	rddreg [dreg:$0x1c]  }
0x1bb: {  	[hbm4b:s14+s12] =	stream.strided.scatter [tilespmem:s19], [sflag:$0x3], $0x500, s9, s12, $0x200038;
	[tilespmem:$0xA5D0] =	vst v63  }
0x1bc: {  	s14 =	rddreg [dreg:$0x1d]  }
0x1bd: {  	[hbm4b:s15+s12] =	stream.strided.scatter [tilespmem:s20], [sflag:$0x3], $0x500, s9, s12, $0x200038;
	[tilespmem:$0xA5D0] =	vst v63  }
0x1be: {  	s15 =	rddreg [dreg:$0x1e]  }
0x1bf: {  	[hbm4b:s14+s12] =	stream.strided.scatter [tilespmem:s21], [sflag:$0x3], $0x500, s9, s12, $0x200038;
	[tilespmem:$0xA5D0] =	vst v63  }
0x1c0: {  	s14 =	rddreg [dreg:$0x1f]  }
0x1c1: {  	[hbm4b:s15+s12] =	stream.strided.scatter [tilespmem:s22], [sflag:$0x3], $0x500, s9, s12, $0x200038;
	[tilespmem:$0xA5D0] =	vst v63  }
0x1c2: {  	s15 =	sld [smem:$0x7E1]  }
0x1c3: {  	[hbm4b:s14+s12] =	stream.strided.scatter [tilespmem:s23], [sflag:$0x3], $0x500, s9, s12, $0x200038;
	[tilespmem:$0xA5D0] =	vst v63  }
0x1c4: {  	s14 =	sld [smem:$0x7E2]  }
0x1c5: {  	[hbm4b:s15+s12] =	stream.strided.scatter [tilespmem:s24], [sflag:$0x3], $0x500, s9, s12, $0x200038;
	[tilespmem:$0xA5D0] =	vst v63  }
0x1c6: {  	s15 =	sld [smem:$0x7E3]  }
0x1c7: {  	[hbm4b:s14+s12] =	stream.strided.scatter [tilespmem:s25], [sflag:$0x3], $0x500, s9, s12, $0x200038;
	[tilespmem:$0xA5D0] =	vst v63  }
0x1c8: {  	s14 =	sld [smem:$0x7E4]  }
0x1c9: {  	[hbm4b:s15+s12] =	stream.strided.scatter [tilespmem:s26], [sflag:$0x3], $0x500, s9, s12, $0x200038;
	[tilespmem:$0xA5D0] =	vst v63  }
0x1ca: {  	s15 =	sld [smem:$0x7E5]  }
0x1cb: {  	[hbm4b:s14+s12] =	stream.strided.scatter [tilespmem:s28], [sflag:$0x3], $0x500, s9, s12, $0x200038;
	[tilespmem:$0xA5D0] =	vst v63  }
0x1cc: {  	s14 =	sld [smem:$0x7E6]  }
0x1cd: {  	[hbm4b:s15+s12] =	stream.strided.scatter [tilespmem:s29], [sflag:$0x3], $0x500, s9, s12, $0x200038;
	[tilespmem:$0xA5D0] =	vst v63  }
0x1ce: {  	s15 =	sld [smem:$0x7E7]  }
0x1cf: {  	[hbm4b:s14+s12] =	stream.strided.scatter [tilespmem:s30], [sflag:$0x3], $0x500, s9, s12, $0x200038;
	[tilespmem:$0xA5D0] =	vst v63  }
0x1d0: {  	_ = 	snop  }
0x1d1: {  	[hbm4b:s15+s12] =	stream.strided.scatter [tilespmem:s31], [sflag:$0x3], $0x500, s9, s12, $0x200038;
	[tilespmem:$0xA5D0] =	vst v63  }
0x1d2: {  	_ =	swait.ge [sflag:s1], $0x500  }
0x1d3: {  	[sflag:s1] =	ssyncset.done $0x0  }
0x1d4: {  	[sflag:s1] =	ssyncadd.s32 $0xFFFFFB00  }
0x1d5: {  	_ =	swait.ge [sflag:s1], $0x500  }
0x1d6: {  	[sflag:s1] =	ssyncset.done $0x0  }
0x1d7: {  	[sflag:s1] =	ssyncadd.s32 $0xFFFFFB00  }
0x1d8: {  	_ =	swait.ge [sflag:s1], $0x500  }
0x1d9: {  	[sflag:s1] =	ssyncset.done $0x0  }
0x1da: {  	[sflag:s1] =	ssyncadd.s32 $0xFFFFFB00  }
0x1db: {  	_ =	swait.ge [sflag:s1], $0x500  }
0x1dc: {  	[sflag:s1] =	ssyncset.done $0x0  }
0x1dd: {  	[sflag:s1] =	ssyncadd.s32 $0xFFFFFB00  }
0x1de: {  	_ =	swait.ge [sflag:s1], $0x500  }
0x1df: {  	[sflag:s1] =	ssyncset.done $0x0  }
0x1e0: {  	[sflag:s1] =	ssyncadd.s32 $0xFFFFFB00  }
0x1e1: {  	_ =	swait.ge [sflag:s1], $0x500  }
0x1e2: {  	[sflag:s1] =	ssyncset.done $0x0  }
0x1e3: {  	[sflag:s1] =	ssyncadd.s32 $0xFFFFFB00  }
0x1e4: {  	_ =	swait.ge [sflag:s1], $0x500  }
0x1e5: {  	[sflag:s1] =	ssyncset.done $0x0  }
0x1e6: {  	[sflag:s1] =	ssyncadd.s32 $0xFFFFFB00  }
0x1e7: {  	_ =	swait.ge [sflag:s1], $0x500  }
0x1e8: {  	[sflag:s1] =	ssyncset.done $0x0  }
0x1e9: {  	[sflag:s1] =	ssyncadd.s32 $0xFFFFFB00  }
0x1ea: {  	_ =	swait.ge [sflag:s1], $0x500  }
0x1eb: {  	[sflag:s1] =	ssyncset.done $0x0  }
0x1ec: {  	[sflag:s1] =	ssyncadd.s32 $0xFFFFFB00  }
0x1ed: {  	_ =	swait.ge [sflag:s1], $0x500  }
0x1ee: {  	[sflag:s1] =	ssyncset.done $0x0  }
0x1ef: {  	[sflag:s1] =	ssyncadd.s32 $0xFFFFFB00  }
0x1f0: {  	_ =	swait.ge [sflag:s1], $0x500  }
0x1f1: {  	[sflag:s1] =	ssyncset.done $0x0  }
0x1f2: {  	[sflag:s1] =	ssyncadd.s32 $0xFFFFFB00  }
0x1f3: {  	_ =	swait.ge [sflag:s1], $0x500  }
0x1f4: {  	[sflag:s1] =	ssyncset.done $0x0  }
0x1f5: {  	[sflag:s1] =	ssyncadd.s32 $0xFFFFFB00  }
0x1f6: {  	_ =	swait.ge [sflag:s1], $0x500  }
0x1f7: {  	[sflag:s1] =	ssyncset.done $0x0  }
0x1f8: {  	[sflag:s1] =	ssyncadd.s32 $0xFFFFFB00  }
0x1f9: {  	_ =	swait.ge [sflag:s1], $0x500  }
0x1fa: {  	[sflag:s1] =	ssyncset.done $0x0  }
0x1fb: {  	[sflag:s1] =	ssyncadd.s32 $0xFFFFFB00  }
0x1fc: {  	_ =	swait.ge [sflag:s1], $0x500  }
0x1fd: {  	[sflag:s1] =	ssyncset.done $0x0  }
0x1fe: {  	[sflag:s1] =	ssyncadd.s32 $0xFFFFFB00  }
0x1ff: {  	_ =	swait.ge [sflag:s1], $0x500  }
0x200: {  	[sflag:s1] =	ssyncset.done $0x0  }
0x201: {  	[sflag:s1] =	ssyncadd.s32 $0xFFFFFB00  }
0x202: {  	_ =	swait.ge [sflag:s1], $0x500  }
0x203: {  	[sflag:s1] =	ssyncset.done $0x0  }
0x204: {  	[sflag:s1] =	ssyncadd.s32 $0xFFFFFB00  }
0x205: {  	_ =	swait.ge [sflag:s1], $0x500  }
0x206: {  	[sflag:s1] =	ssyncset.done $0x0  }
0x207: {  	[sflag:s1] =	ssyncadd.s32 $0xFFFFFB00  }
0x208: {  	_ =	swait.ge [sflag:s1], $0x500  }
0x209: {  	[sflag:s1] =	ssyncset.done $0x0  }
0x20a: {  	[sflag:s1] =	ssyncadd.s32 $0xFFFFFB00  }
0x20b: {  	_ =	swait.ge [sflag:s1], $0x500  }
0x20c: {  	[sflag:s1] =	ssyncset.done $0x0  }
0x20d: {  	[sflag:s1] =	ssyncadd.s32 $0xFFFFFB00  }
0x20e: {  	_ =	swait.ge [sflag:s1], $0x500  }
0x20f: {  	[sflag:s1] =	ssyncset.done $0x0  }
0x210: {  	[sflag:s1] =	ssyncadd.s32 $0xFFFFFB00  }
0x211: {  	_ =	swait.ge [sflag:s1], $0x500  }
0x212: {  	[sflag:s1] =	ssyncset.done $0x0  }
0x213: {  	[sflag:s1] =	ssyncadd.s32 $0xFFFFFB00  }
0x214: {  	_ =	swait.ge [sflag:s1], $0x500  }
0x215: {  	[sflag:s1] =	ssyncset.done $0x0  }
0x216: {  	[sflag:s1] =	ssyncadd.s32 $0xFFFFFB00  }
0x217: {  	_ =	swait.ge [sflag:s1], $0x500  }
0x218: {  	[sflag:s1] =	ssyncset.done $0x0  }
0x219: {  	[sflag:s1] =	ssyncadd.s32 $0xFFFFFB00  }
0x21a: {  	_ =	swait.ge [sflag:s1], $0x500  }
0x21b: {  	[sflag:s1] =	ssyncset.done $0x0  }
0x21c: {  	[sflag:s1] =	ssyncadd.s32 $0xFFFFFB00  }
0x21d: {  	_ =	swait.ge [sflag:s1], $0x500  }
0x21e: {  	[sflag:s1] =	ssyncset.done $0x0  }
0x21f: {  	[sflag:s1] =	ssyncadd.s32 $0xFFFFFB00  }
0x220: {  	_ =	swait.ge [sflag:s1], $0x500  }
0x221: {  	[sflag:s1] =	ssyncset.done $0x0  }
0x222: {  	[sflag:s1] =	ssyncadd.s32 $0xFFFFFB00  }
0x223: {  	_ =	swait.ge [sflag:s1], $0x500  }
0x224: {  	[sflag:s1] =	ssyncset.done $0x0  }
0x225: {  	[sflag:s1] =	ssyncadd.s32 $0xFFFFFB00  }
0x226: {  	_ =	swait.ge [sflag:s1], $0x500  }
0x227: {  	[sflag:s1] =	ssyncset.done $0x0  }
0x228: {  	[sflag:s1] =	ssyncadd.s32 $0xFFFFFB00  }
0x229: {  	_ =	swait.ge [sflag:s1], $0x500  }
0x22a: {  	[sflag:s1] =	ssyncset.done $0x0  }
0x22b: {  	[sflag:s1] =	ssyncadd.s32 $0xFFFFFB00  }
0x22c: {  	_ =	swait.ge [sflag:s1], $0x500  }
0x22d: {  	p0 =	sne.s32 s5, $0x1;
	[sflag:s1] =	ssyncset.done $0x0  }
.Ltmp0:
0x22e: {  	[sflag:s1] =	ssyncadd.s32 $0xFFFFFB00;
	(pc) =	sbr.rel @p0 .LBB2_1-.Ltmp0, $4  }
0x22f: {  	_ =	swait.ge [sflag:s1], $0x500  }
0x230: {  	[sflag:s1] =	ssyncset.done $0x0  }
0x231: {  	[sflag:s1] =	ssyncadd.s32 $0xFFFFFB00  }
0x232: {  	s5 =	sadd.s32 $0xFFFFFFFF, s5;
	_ =	strace $0x9000004B  }
0x233: {  	_ =	sfence.sel $0x180000  }
0x234: {  	[bflag:$0x0] =	sbarrier.arrive $0xFFFF  }
0x235: {  	_ =	strace $0x90000047  }
0x236: {  	s0 =	stileid.u32;
	[bflag:$0x2] =	sbarrier.arrive $0xFFFF  }
0x237: {  	p0 =	sne.s32 s0, $0x0;
	s0 =	rddreg [dreg:$0x4]  }
0x238: {  	s0 =	sadd.s32 @!p0 $0x100000, s0  }
0x239: {  	[sflag:s0] =	ssyncadd.tile.s32 @!p0 $0x1;
	_ =	shalt  }
.Lfunc_end2:
_tile_overlayer_lowered:
.L_overlay_start_2:
0x23a: {  	(tag) =	ssettag $0x2  }
0x23b: {  	s0 =	rddreg [dreg:$0x0];
	s2 =	stileid.u32  }
0x23c: {  	s1 =	rddreg [dreg:$0x1];
	p0 =	sne.s32 s2, $0x0  }
0x23d: {  	s3 =	rddreg [dreg:$0x2];
	[bflag:$0x3] =	sbarrier.arrive $0xFFFF;
	s2 =	simm.s32 @!p0 $0x1C04  }
0x23e: {  	[timem:s3], [sflag:s2] =	dma.local @!p0 [hbm:s0], s1  }
0x23f: {  	s0 =	simm.s32 @!p0 $0x4  }
0x240: {  	_ =	swait.ge @!p0 [sflag:s0], s1  }
0x241: {  	s1 =	ssub.s32 @!p0 $0x0, s1;
	[sflag:s0] =	ssyncset.done @!p0 $0x0  }
0x242: {  	[sflag:s0] =	ssyncadd.s32 @!p0 s1  }
0x243: {  	[bflag:$0x3] =	sbarrier.arrive $0xFFFF  }
0x244: {  	_ =	shalt  }

</sc_bundles>
